<compile_context>
chip_gen: v7x
topology: tpu7x:2x2x1
jax: 0.10.2.dev20260603
libtpu: 0.0.44.dev20260713+nightly
codegen_flags: <defaults>
</compile_context>

<pallas_src>
import functools

import jax
import jax.numpy as jnp
from jax import lax
from jax.experimental import pallas as pl
from jax.experimental.pallas import tpu as pltpu
from jax.experimental.pallas import tpu_sc as plsc

NC = 2
NS = 16
NW = NC * NS

EK = 128
NSEG = 2


def _chunk_geometry(E):
    ept = E // NW
    assert E % NW == 0
    n_chunks = -(-ept // EK)
    n_chunks = -(-n_chunks // (2 * NSEG)) * (2 * NSEG)
    return ept, n_chunks


def _row_partition(NP):
    base = (NP // NS) // 8 * 8
    tail = NP - base * NS
    assert tail % 8 == 0 and base % 8 == 0
    return base, tail


def _make_deg_pass(E, NP, H):
    _, n_chunks = _chunk_geometry(E)
    rows_per_tile, row_tail = _row_partition(NP)
    mesh = plsc.VectorSubcoreMesh(core_axis_name="c", subcore_axis_name="s")

    @functools.partial(
        pl.kernel,
        out_type=jax.ShapeDtypeStruct((NC, NP, H), jnp.float32),
        mesh=mesh,
        scratch_types=[
            pltpu.VMEM((n_chunks, EK), jnp.int32),
            pltpu.VMEM((EK, H), jnp.float32),
            pltpu.VMEM_SHARED((NP, H), jnp.float32),
        ],
    )
    def deg_pass(dst_hbm, ones_hbm, z_hbm, degp_hbm, dstv, onesv, dacc):
        c = lax.axis_index("c")
        s = lax.axis_index("s")
        wid = c * NS + s
        pltpu.sync_copy(ones_hbm, onesv)
        pltpu.sync_copy(dst_hbm.at[wid], dstv)
        r0 = s * rows_per_tile
        rt = NS * rows_per_tile
        pltpu.sync_copy(z_hbm.at[pl.ds(r0, rows_per_tile)],
                        dacc.at[pl.ds(r0, rows_per_tile)])

        if row_tail:
            @pl.when(s == 0)
            def _():
                pltpu.sync_copy(z_hbm.at[pl.ds(rt, row_tail)],
                                dacc.at[pl.ds(rt, row_tail)])

        plsc.subcore_barrier()

        def body(i, _):
            pltpu.sync_copy(onesv, dacc.at[dstv.at[i]], add=True)
            return ()

        lax.fori_loop(0, n_chunks, body, ())
        plsc.subcore_barrier()
        pltpu.sync_copy(dacc.at[pl.ds(r0, rows_per_tile)],
                        degp_hbm.at[c, pl.ds(r0, rows_per_tile)])

        if row_tail:
            @pl.when(s == 0)
            def _():
                pltpu.sync_copy(dacc.at[pl.ds(rt, row_tail)],
                                degp_hbm.at[c, pl.ds(rt, row_tail)])

    return deg_pass


def _make_edge_pass(E, NP, H):
    _, n_chunks = _chunk_geometry(E)
    ek = EK
    assert n_chunks % 2 == 0
    rows_per_tile, row_tail = _row_partition(NP)
    mesh = plsc.VectorSubcoreMesh(core_axis_name="c", subcore_axis_name="s")

    segc = n_chunks // NSEG
    assert segc % 2 == 0

    @functools.partial(
        pl.kernel,
        out_type=jax.ShapeDtypeStruct((NC, NP, H), jnp.float32),
        mesh=mesh,
        scratch_types=[
            pltpu.VMEM((segc, ek), jnp.int32),
            pltpu.VMEM((segc, ek), jnp.int32),
            [pltpu.VMEM((ek, H), jnp.float32)] * 2,
            pltpu.VMEM_SHARED((NP, H), jnp.float32),
            [pltpu.SemaphoreType.DMA] * 2,
        ],
    )
    def edge_pass(src_hbm, dst_hbm, q_hbm, z_hbm, out_hbm,
                  sidx, didx, rows, acc, g):
        c = lax.axis_index("c")
        s = lax.axis_index("s")
        wid = c * NS + s
        r0 = s * rows_per_tile
        rt = NS * rows_per_tile
        pltpu.sync_copy(z_hbm.at[pl.ds(r0, rows_per_tile)],
                        acc.at[pl.ds(r0, rows_per_tile)])

        if row_tail:
            @pl.when(s == 0)
            def _():
                pltpu.sync_copy(z_hbm.at[pl.ds(rt, row_tail)],
                                acc.at[pl.ds(rt, row_tail)])

        plsc.subcore_barrier()

        for seg in range(NSEG):
            cbase = seg * segc
            pltpu.sync_copy(src_hbm.at[wid, pl.ds(cbase, segc)], sidx)
            pltpu.sync_copy(dst_hbm.at[wid, pl.ds(cbase, segc)], didx)
            pltpu.async_copy(q_hbm.at[sidx.at[0]], rows[0], g[0])

            def body(k, _):
                for j in range(2):
                    cc = 2 * k + j
                    j1 = (j + 1) % 2

                    @pl.when(cc + 1 < segc)
                    def _():
                        pltpu.async_copy(
                            q_hbm.at[sidx.at[cc + 1]], rows[j1], g[j1])

                    pltpu.make_async_copy(
                        q_hbm.at[sidx.at[cc]], rows[j], g[j]).wait()
                    pltpu.sync_copy(rows[j], acc.at[didx.at[cc]], add=True)

                return ()

            lax.fori_loop(0, segc // 2, body, ())

        plsc.subcore_barrier()
        pltpu.sync_copy(acc.at[pl.ds(r0, rows_per_tile)],
                        out_hbm.at[c, pl.ds(r0, rows_per_tile)])

        if row_tail:
            @pl.when(s == 0)
            def _():
                pltpu.sync_copy(acc.at[pl.ds(rt, row_tail)],
                                out_hbm.at[c, pl.ds(rt, row_tail)])

    return edge_pass


def _tc1_body(degp_ref, x_ref, w1_ref, out_ref):
    dinv = lax.rsqrt(degp_ref[0] + degp_ref[1] + 1.0)
    p = jnp.dot(x_ref[...], w1_ref[...], preferred_element_type=jnp.float32)
    out_ref[...] = p * dinv


def _tc2_body(degp_ref, aggp_ref, q_ref, w2_ref, b1_ref, out_ref):
    dinv = lax.rsqrt(degp_ref[0] + degp_ref[1] + 1.0)
    h1 = jnp.maximum(
        dinv * (aggp_ref[0] + aggp_ref[1] + q_ref[...]) + b1_ref[...], 0.0)
    out_ref[...] = jnp.dot(
        h1, w2_ref[...], preferred_element_type=jnp.float32) * dinv


def _tc3_body(nblk, B, degp_ref, aggp_ref, q_ref, b2_ref, batch_ref,
              wlin_ref, blin_ref, out_ref, sums_ref, cnts_ref):
    m = pl.program_id(0)

    @pl.when(m == 0)
    def _():
        sums_ref[...] = jnp.zeros_like(sums_ref)
        cnts_ref[...] = jnp.zeros_like(cnts_ref)

    dinv = lax.rsqrt(degp_ref[0] + degp_ref[1] + 1.0)
    z = dinv * (aggp_ref[0] + aggp_ref[1] + q_ref[...]) + b2_ref[...]
    h = jnp.maximum(z, 0.0)
    mb = h.shape[0]
    bids = batch_ref[0, 0, :]
    seg = lax.broadcasted_iota(jnp.int32, (B, mb), 0)
    msk = (bids[None, :] == seg).astype(jnp.float32)
    sums_ref[...] += jnp.dot(msk, h, preferred_element_type=jnp.float32)
    cnts_ref[...] += jnp.broadcast_to(
        jnp.sum(msk, axis=1, keepdims=True), cnts_ref.shape)

    @pl.when(m == nblk - 1)
    def _():
        pooled = sums_ref[...] / jnp.maximum(cnts_ref[...], 1.0)
        out_ref[...] = jnp.dot(
            pooled, wlin_ref[...],
            preferred_element_type=jnp.float32) + blin_ref[...]


def kernel(x, edge_index, batch, W1, b1, W2, b2, Wlin, blin):
    N, D = x.shape
    H = W1.shape[1]
    C = Wlin.shape[1]
    E = edge_index.shape[1]
    B = 64

    MB = 1000
    nblk = N // MB
    assert N % MB == 0

    ept, n_chunks = _chunk_geometry(E)
    pad = n_chunks * EK - ept
    NP = N + max(pad, 8)
    assert NP % 8 == 0
    MBP = NP // 10
    nblkp = NP // MBP
    assert NP % MBP == 0 and MBP % 8 == 0

    sink = N + (jnp.arange(pad, dtype=jnp.int32) % max(pad, 1))
    src = edge_index[0].reshape(NW, ept)
    dst = edge_index[1].reshape(NW, ept)
    src = jnp.concatenate(
        [src, jnp.broadcast_to(sink, (NW, pad))], axis=1)
    dst = jnp.concatenate(
        [dst, jnp.broadcast_to(sink, (NW, pad))], axis=1)
    src = src.reshape(NW, n_chunks, EK)
    dst = dst.reshape(NW, n_chunks, EK)

    zerosH = jnp.zeros((NP, H), jnp.float32)
    onesH = jnp.ones((EK, H), jnp.float32)
    batch3 = batch.reshape(nblk, 1, MB)
    b1r = b1.reshape(1, H)
    b2r = b2.reshape(1, H)
    blinr = blin.reshape(1, C)

    deg_pass = _make_deg_pass(E, NP, H)
    edge_pass = _make_edge_pass(E, NP, H)

    degp = deg_pass(dst, onesH, zerosH)

    q1 = pl.pallas_call(
        _tc1_body,
        grid=(nblkp,),
        in_specs=[
            pl.BlockSpec((NC, MBP, H), lambda m: (0, m, 0)),
            pl.BlockSpec((MBP, D), lambda m: (m, 0)),
            pl.BlockSpec((D, H), lambda m: (0, 0)),
        ],
        out_specs=pl.BlockSpec((MBP, H), lambda m: (m, 0)),
        out_shape=jax.ShapeDtypeStruct((NP, H), jnp.float32),
    )(degp, x, W1)

    aggp1 = edge_pass(src, dst, q1, zerosH)

    q2 = pl.pallas_call(
        _tc2_body,
        grid=(nblkp,),
        in_specs=[
            pl.BlockSpec((NC, MBP, H), lambda m: (0, m, 0)),
            pl.BlockSpec((NC, MBP, H), lambda m: (0, m, 0)),
            pl.BlockSpec((MBP, H), lambda m: (m, 0)),
            pl.BlockSpec((H, H), lambda m: (0, 0)),
            pl.BlockSpec((1, H), lambda m: (0, 0)),
        ],
        out_specs=pl.BlockSpec((MBP, H), lambda m: (m, 0)),
        out_shape=jax.ShapeDtypeStruct((NP, H), jnp.float32),
    )(degp, aggp1, q1, W2, b1r)

    aggp2 = edge_pass(src, dst, q2, zerosH)

    logits = pl.pallas_call(
        functools.partial(_tc3_body, nblk, B),
        grid=(nblk,),
        in_specs=[
            pl.BlockSpec((NC, MB, H), lambda m: (0, m, 0)),
            pl.BlockSpec((NC, MB, H), lambda m: (0, m, 0)),
            pl.BlockSpec((MB, H), lambda m: (m, 0)),
            pl.BlockSpec((1, H), lambda m: (0, 0)),
            pl.BlockSpec((1, 1, MB), lambda m: (m, 0, 0)),
            pl.BlockSpec((H, C), lambda m: (0, 0)),
            pl.BlockSpec((1, C), lambda m: (0, 0)),
        ],
        out_specs=pl.BlockSpec((B, C), lambda m: (0, 0)),
        out_shape=jax.ShapeDtypeStruct((B, C), jnp.float32),
        scratch_shapes=[
            pltpu.VMEM((B, H), jnp.float32),
            pltpu.VMEM((B, H), jnp.float32),
        ],
    )(degp, aggp2, q2, b2r, batch3, Wlin, blinr)

    return logits

# --- scband reference (transcript-rebuilt; emitter-appended) ---
"""Pipeline reference for scband-gcn-26663156973940 (READ-ONLY COPY).

The authoritative reference and input builder live on the scoring server;
editing this copy changes nothing except your own understanding.
"""

import jax, jax.numpy as jnp
import numpy as np

N = 10000
E = 320000
D = 128
H = 128
C = 10
B = 64


def setup_inputs(seed: int = 0) -> dict:
    key = jax.random.key(seed)
    ks = jax.random.split(key, 10)
    x = jax.random.normal(ks[0], (N, D), dtype=jnp.float32)
    edge_index = jax.random.randint(ks[1], (2, E), 0, N, dtype=jnp.int32)
    batch = jnp.sort(jax.random.randint(ks[2], (N,), 0, B, dtype=jnp.int32))
    W1 = jax.random.normal(ks[3], (D, H), dtype=jnp.float32) * (1.0 / np.sqrt(D))
    b1 = jnp.zeros((H,), dtype=jnp.float32)
    W2 = jax.random.normal(ks[4], (H, H), dtype=jnp.float32) * (1.0 / np.sqrt(H))
    b2 = jnp.zeros((H,), dtype=jnp.float32)
    Wlin = jax.random.normal(ks[5], (H, C), dtype=jnp.float32) * (1.0 / np.sqrt(H))
    blin = jnp.zeros((C,), dtype=jnp.float32)
    return {"x": x, "edge_index": edge_index, "batch": batch,
            "W1": W1, "b1": b1, "W2": W2, "b2": b2, "Wlin": Wlin, "blin": blin}


def _gcn_conv(x, edge_index, W, b):
    # GCNConv with normalize=True: add self-loops, symmetric deg normalization,
    # linear transform, scatter-add aggregation, bias.
    n = x.shape[0]
    loop = jnp.arange(n, dtype=edge_index.dtype)
    src = jnp.concatenate([edge_index[0], loop])
    dst = jnp.concatenate([edge_index[1], loop])
    deg = jnp.zeros((n,), dtype=x.dtype).at[dst].add(1.0)
    dinv = jnp.where(deg > 0, deg ** -0.5, 0.0)
    norm = dinv[src] * dinv[dst]
    h = x @ W
    out = jnp.zeros((n, W.shape[1]), dtype=x.dtype).at[dst].add(norm[:, None] * h[src])
    return out + b


def reference(x, edge_index, batch, W1, b1, W2, b2, Wlin, blin):
    h = jax.nn.relu(_gcn_conv(x, edge_index, W1, b1))
    # dropout p=0.0 -> identity
    h = jax.nn.relu(_gcn_conv(h, edge_index, W2, b2))
    # global average pooling per graph (segment mean over batch ids)
    sums = jax.ops.segment_sum(h, batch, num_segments=B)
    counts = jax.ops.segment_sum(jnp.ones((h.shape[0],), dtype=h.dtype), batch, num_segments=B)
    pooled = sums / jnp.maximum(counts, 1.0)[:, None]
    logits = pooled @ Wlin + blin
    return logits

if __name__ == "__main__":
    import jax
    _d = setup_inputs()
    print(jax.jit(kernel)(*tuple(_d.values())))

</pallas_src>

<mosaic_0001>
#map = affine_map<(d0, d1) -> (0, 0, 0)>
#map1 = affine_map<(d0, d1) -> (0, 0)>
module attributes {stable_mosaic.version = 14 : i64} {
  func.func @edge_pass(%arg0: i32, %arg1: i32, %arg2: memref<32x80x128xi32, #tpu.memory_space<hbm>>, %arg3: memref<32x80x128xi32, #tpu.memory_space<hbm>>, %arg4: memref<10240x128xf32, #tpu.memory_space<hbm>>, %arg5: memref<10240x128xf32, #tpu.memory_space<hbm>>, %arg6: memref<2x10240x128xf32, #tpu.memory_space<hbm>>, %arg7: memref<40x128xi32, #tpu.memory_space<vmem>>, %arg8: memref<40x128xi32, #tpu.memory_space<vmem>>, %arg9: memref<128x128xf32, #tpu.memory_space<vmem>>, %arg10: memref<128x128xf32, #tpu.memory_space<vmem>>, %arg11: memref<10240x128xf32, #tpu.memory_space<vmem_shared>>, %arg12: memref<!tpu.dma_semaphore, #tpu.memory_space<semaphore_mem>>, %arg13: memref<!tpu.dma_semaphore, #tpu.memory_space<semaphore_mem>>) attributes {dimension_semantics = [#tpu.dimension_semantics<core_parallel>, #tpu.dimension_semantics<subcore_parallel>], iteration_bounds = array<i64: 2, 16>, scalar_prefetch = 0 : i64, scratch_operands = 7 : i64, tpu.core_type = #tpu.core_type<sc_vector_subcore>, window_params = [{transform_indices = #map}, {transform_indices = #map}, {transform_indices = #map1}, {transform_indices = #map1}, {transform_indices = #map}]} {
    %mul3A = arith.constant 16 : i32
    %mul3A_0 = arith.muli %arg0, %mul3A : i32
    %add3A = arith.addi %mul3A_0, %arg1 : i32
    %mul3A_1 = arith.constant 640 : i32
    %mul3A_2 = arith.muli %arg1, %mul3A_1 : i32
    "tpu.region"() ({
      %run_scoped3A = tpu.sem_alloc : memref<!tpu.dma_semaphore, #tpu.memory_space<semaphore_mem>>
      %dma_start3A_26 = arith.constant 0 : i32
      %dma_start3A_27 = tpu.memref_slice %arg11[%mul3A_2, %dma_start3A_26] : memref<10240x128xf32, #tpu.memory_space<vmem_shared>> -> memref<640x128xf32, #tpu.memory_space<vmem_shared>>
      %dma_start3A_28 = arith.constant 0 : i32
      %dma_start3A_29 = tpu.memref_slice %arg5[%mul3A_2, %dma_start3A_28] : memref<10240x128xf32, #tpu.memory_space<hbm>> -> memref<640x128xf32, #tpu.memory_space<hbm>>
      tpu.enqueue_dma source(%dma_start3A_29 : memref<640x128xf32, #tpu.memory_space<hbm>>) target(%dma_start3A_27 : memref<640x128xf32, #tpu.memory_space<vmem_shared>>) target_semaphore(%run_scoped3A : memref<!tpu.dma_semaphore, #tpu.memory_space<semaphore_mem>>)
      %dma_wait3A = arith.constant 0 : i32
      %dma_wait3A_30 = tpu.memref_slice %arg11[%mul3A_2, %dma_wait3A] : memref<10240x128xf32, #tpu.memory_space<vmem_shared>> -> memref<640x128xf32, #tpu.memory_space<vmem_shared>>
      %dma_wait3A_31 = arith.constant 0 : i32
      %dma_wait3A_32 = tpu.memref_slice %arg5[%mul3A_2, %dma_wait3A_31] : memref<10240x128xf32, #tpu.memory_space<hbm>> -> memref<640x128xf32, #tpu.memory_space<hbm>>
      tpu.wait_dma2 semaphore(%run_scoped3A : memref<!tpu.dma_semaphore, #tpu.memory_space<semaphore_mem>>) src(%dma_wait3A_32 : memref<640x128xf32, #tpu.memory_space<hbm>>) dst(%dma_wait3A_30 : memref<640x128xf32, #tpu.memory_space<vmem_shared>>)
      tpu.yield
    }) : () -> ()
    %barrier3A = arith.constant 0 : index
    tpu.barrier barrier_id(%barrier3A)
    "tpu.region"() ({
      %run_scoped3A = tpu.sem_alloc : memref<!tpu.dma_semaphore, #tpu.memory_space<semaphore_mem>>
      %dma_start3A_26 = arith.constant 0 : i32
      %dma_start3A_27 = arith.constant 0 : i32
      %dma_start3A_28 = tpu.memref_slice %arg2[%add3A, %dma_start3A_26, %dma_start3A_27] : memref<32x80x128xi32, #tpu.memory_space<hbm>> -> memref<1x40x128xi32, #tpu.memory_space<hbm>>
      %dma_start3A_29 = tpu.memref_squeeze %dma_start3A_28 : memref<1x40x128xi32, #tpu.memory_space<hbm>> -> memref<40x128xi32, #tpu.memory_space<hbm>>
      %dma_start3A_30 = arith.constant 0 : i32
      %dma_start3A_31 = arith.constant 0 : i32
      %dma_start3A_32 = tpu.memref_slice %arg2[%add3A, %dma_start3A_30, %dma_start3A_31] : memref<32x80x128xi32, #tpu.memory_space<hbm>> -> memref<1x40x128xi32, #tpu.memory_space<hbm>>
      %dma_start3A_33 = tpu.memref_squeeze %dma_start3A_32 : memref<1x40x128xi32, #tpu.memory_space<hbm>> -> memref<40x128xi32, #tpu.memory_space<hbm>>
      tpu.enqueue_dma source(%dma_start3A_33 : memref<40x128xi32, #tpu.memory_space<hbm>>) target(%arg7 : memref<40x128xi32, #tpu.memory_space<vmem>>) target_semaphore(%run_scoped3A : memref<!tpu.dma_semaphore, #tpu.memory_space<semaphore_mem>>)
      %dma_wait3A = arith.constant 0 : i32
      %dma_wait3A_34 = arith.constant 0 : i32
      %dma_wait3A_35 = tpu.memref_slice %arg2[%add3A, %dma_wait3A, %dma_wait3A_34] : memref<32x80x128xi32, #tpu.memory_space<hbm>> -> memref<1x40x128xi32, #tpu.memory_space<hbm>>
      %dma_wait3A_36 = tpu.memref_squeeze %dma_wait3A_35 : memref<1x40x128xi32, #tpu.memory_space<hbm>> -> memref<40x128xi32, #tpu.memory_space<hbm>>
      %dma_wait3A_37 = arith.constant 0 : i32
      %dma_wait3A_38 = arith.constant 0 : i32
      %dma_wait3A_39 = tpu.memref_slice %arg2[%add3A, %dma_wait3A_37, %dma_wait3A_38] : memref<32x80x128xi32, #tpu.memory_space<hbm>> -> memref<1x40x128xi32, #tpu.memory_space<hbm>>
      %dma_wait3A_40 = tpu.memref_squeeze %dma_wait3A_39 : memref<1x40x128xi32, #tpu.memory_space<hbm>> -> memref<40x128xi32, #tpu.memory_space<hbm>>
      tpu.wait_dma2 semaphore(%run_scoped3A : memref<!tpu.dma_semaphore, #tpu.memory_space<semaphore_mem>>) src(%dma_wait3A_40 : memref<40x128xi32, #tpu.memory_space<hbm>>) dst(%arg7 : memref<40x128xi32, #tpu.memory_space<vmem>>)
      tpu.yield
    }) : () -> ()
    "tpu.region"() ({
      %run_scoped3A = tpu.sem_alloc : memref<!tpu.dma_semaphore, #tpu.memory_space<semaphore_mem>>
      %dma_start3A_26 = arith.constant 0 : i32
      %dma_start3A_27 = arith.constant 0 : i32
      %dma_start3A_28 = tpu.memref_slice %arg3[%add3A, %dma_start3A_26, %dma_start3A_27] : memref<32x80x128xi32, #tpu.memory_space<hbm>> -> memref<1x40x128xi32, #tpu.memory_space<hbm>>
      %dma_start3A_29 = tpu.memref_squeeze %dma_start3A_28 : memref<1x40x128xi32, #tpu.memory_space<hbm>> -> memref<40x128xi32, #tpu.memory_space<hbm>>
      %dma_start3A_30 = arith.constant 0 : i32
      %dma_start3A_31 = arith.constant 0 : i32
      %dma_start3A_32 = tpu.memref_slice %arg3[%add3A, %dma_start3A_30, %dma_start3A_31] : memref<32x80x128xi32, #tpu.memory_space<hbm>> -> memref<1x40x128xi32, #tpu.memory_space<hbm>>
      %dma_start3A_33 = tpu.memref_squeeze %dma_start3A_32 : memref<1x40x128xi32, #tpu.memory_space<hbm>> -> memref<40x128xi32, #tpu.memory_space<hbm>>
      tpu.enqueue_dma source(%dma_start3A_33 : memref<40x128xi32, #tpu.memory_space<hbm>>) target(%arg8 : memref<40x128xi32, #tpu.memory_space<vmem>>) target_semaphore(%run_scoped3A : memref<!tpu.dma_semaphore, #tpu.memory_space<semaphore_mem>>)
      %dma_wait3A = arith.constant 0 : i32
      %dma_wait3A_34 = arith.constant 0 : i32
      %dma_wait3A_35 = tpu.memref_slice %arg3[%add3A, %dma_wait3A, %dma_wait3A_34] : memref<32x80x128xi32, #tpu.memory_space<hbm>> -> memref<1x40x128xi32, #tpu.memory_space<hbm>>
      %dma_wait3A_36 = tpu.memref_squeeze %dma_wait3A_35 : memref<1x40x128xi32, #tpu.memory_space<hbm>> -> memref<40x128xi32, #tpu.memory_space<hbm>>
      %dma_wait3A_37 = arith.constant 0 : i32
      %dma_wait3A_38 = arith.constant 0 : i32
      %dma_wait3A_39 = tpu.memref_slice %arg3[%add3A, %dma_wait3A_37, %dma_wait3A_38] : memref<32x80x128xi32, #tpu.memory_space<hbm>> -> memref<1x40x128xi32, #tpu.memory_space<hbm>>
      %dma_wait3A_40 = tpu.memref_squeeze %dma_wait3A_39 : memref<1x40x128xi32, #tpu.memory_space<hbm>> -> memref<40x128xi32, #tpu.memory_space<hbm>>
      tpu.wait_dma2 semaphore(%run_scoped3A : memref<!tpu.dma_semaphore, #tpu.memory_space<semaphore_mem>>) src(%dma_wait3A_40 : memref<40x128xi32, #tpu.memory_space<hbm>>) dst(%arg8 : memref<40x128xi32, #tpu.memory_space<vmem>>)
      tpu.yield
    }) : () -> ()
    %dma_start3A = arith.constant 0 : i32
    %dma_start3A_3 = arith.constant 0 : i32
    %dma_start3A_4 = tpu.memref_slice %arg7[%dma_start3A, %dma_start3A_3] : memref<40x128xi32, #tpu.memory_space<vmem>> -> memref<1x128xi32, #tpu.memory_space<vmem>>
    %dma_start3A_5 = tpu.memref_squeeze %dma_start3A_4 : memref<1x128xi32, #tpu.memory_space<vmem>> -> memref<128xi32, #tpu.memory_space<vmem>>
    %dma_start3A_6 = arith.constant 0 : i32
    %dma_start3A_7 = arith.constant 0 : i32
    %dma_start3A_8 = tpu.memref_slice %arg4[%dma_start3A_6, %dma_start3A_7] : memref<10240x128xf32, #tpu.memory_space<hbm>> -> memref<10240x128xf32, #tpu.memory_space<hbm>>
    tpu.enqueue_indirect_dma source(%dma_start3A_8 : memref<10240x128xf32, #tpu.memory_space<hbm>>) target(%arg9 : memref<128x128xf32, #tpu.memory_space<vmem>>) offsets(%dma_start3A_5 : memref<128xi32, #tpu.memory_space<vmem>>) semaphore(%arg12 : memref<!tpu.dma_semaphore, #tpu.memory_space<semaphore_mem>>)
    %scan3A = arith.constant 0 : i32
    %scan3A_9 = arith.constant 20 : i32
    %scan3A_10 = arith.addi %scan3A, %scan3A_9 : i32
    %scan3A_11 = arith.constant 1 : i32
    scf.for %scan3A_26 = %scan3A to %scan3A_10 step %scan3A_11  : i32 {
      %mul3A_27 = arith.constant 2 : i32
      %mul3A_28 = arith.muli %mul3A_27, %scan3A_26 : i32
      %add3A_29 = arith.constant 0 : i32
      %add3A_30 = arith.addi %mul3A_28, %add3A_29 : i32
      %add3A_31 = arith.constant 1 : i32
      %add3A_32 = arith.addi %add3A_30, %add3A_31 : i32
      %lt3A = arith.constant 40 : i32
      %lt3A_33 = arith.cmpi slt, %add3A_32, %lt3A : i32
      %convert_element_type3A = arith.extui %lt3A_33 : i1 to i32
      %cond3A = arith.constant 0 : i32
      %cond3A_34 = arith.cmpi ne, %convert_element_type3A, %cond3A : i32
      scf.if %cond3A_34 {
        %add3A_57 = arith.constant 1 : i32
        %add3A_58 = arith.addi %add3A_30, %add3A_57 : i32
        %dma_start3A_59 = arith.constant 0 : i32
        %dma_start3A_60 = tpu.memref_slice %arg7[%add3A_58, %dma_start3A_59] : memref<40x128xi32, #tpu.memory_space<vmem>> -> memref<1x128xi32, #tpu.memory_space<vmem>>
        %dma_start3A_61 = tpu.memref_squeeze %dma_start3A_60 : memref<1x128xi32, #tpu.memory_space<vmem>> -> memref<128xi32, #tpu.memory_space<vmem>>
        %dma_start3A_62 = arith.constant 0 : i32
        %dma_start3A_63 = arith.constant 0 : i32
        %dma_start3A_64 = tpu.memref_slice %arg4[%dma_start3A_62, %dma_start3A_63] : memref<10240x128xf32, #tpu.memory_space<hbm>> -> memref<10240x128xf32, #tpu.memory_space<hbm>>
        tpu.enqueue_indirect_dma source(%dma_start3A_64 : memref<10240x128xf32, #tpu.memory_space<hbm>>) target(%arg10 : memref<128x128xf32, #tpu.memory_space<vmem>>) offsets(%dma_start3A_61 : memref<128xi32, #tpu.memory_space<vmem>>) semaphore(%arg13 : memref<!tpu.dma_semaphore, #tpu.memory_space<semaphore_mem>>)
      } else {
      }
      %dma_wait3A = arith.constant 0 : i32
      %dma_wait3A_35 = tpu.memref_slice %arg7[%add3A_30, %dma_wait3A] : memref<40x128xi32, #tpu.memory_space<vmem>> -> memref<1x128xi32, #tpu.memory_space<vmem>>
      %dma_wait3A_36 = tpu.memref_squeeze %dma_wait3A_35 : memref<1x128xi32, #tpu.memory_space<vmem>> -> memref<128xi32, #tpu.memory_space<vmem>>
      %dma_wait3A_37 = arith.constant 0 : i32
      %dma_wait3A_38 = arith.constant 0 : i32
      %dma_wait3A_39 = tpu.memref_slice %arg4[%dma_wait3A_37, %dma_wait3A_38] : memref<10240x128xf32, #tpu.memory_space<hbm>> -> memref<10240x128xf32, #tpu.memory_space<hbm>>
      tpu.wait_indirect_dma semaphore(%arg12 : memref<!tpu.dma_semaphore, #tpu.memory_space<semaphore_mem>>) src(%dma_wait3A_39 : memref<10240x128xf32, #tpu.memory_space<hbm>>) dst(%arg9 : memref<128x128xf32, #tpu.memory_space<vmem>>)
      "tpu.region"() ({
        %run_scoped3A = tpu.sem_alloc : memref<!tpu.dma_semaphore, #tpu.memory_space<semaphore_mem>>
        %dma_start3A_57 = arith.constant 0 : i32
        %dma_start3A_58 = tpu.memref_slice %arg8[%add3A_30, %dma_start3A_57] : memref<40x128xi32, #tpu.memory_space<vmem>> -> memref<1x128xi32, #tpu.memory_space<vmem>>
        %dma_start3A_59 = tpu.memref_squeeze %dma_start3A_58 : memref<1x128xi32, #tpu.memory_space<vmem>> -> memref<128xi32, #tpu.memory_space<vmem>>
        %dma_start3A_60 = arith.constant 0 : i32
        %dma_start3A_61 = arith.constant 0 : i32
        %dma_start3A_62 = tpu.memref_slice %arg11[%dma_start3A_60, %dma_start3A_61] : memref<10240x128xf32, #tpu.memory_space<vmem_shared>> -> memref<10240x128xf32, #tpu.memory_space<vmem_shared>>
        tpu.enqueue_indirect_dma source(%arg9 : memref<128x128xf32, #tpu.memory_space<vmem>>) target(%dma_start3A_62 : memref<10240x128xf32, #tpu.memory_space<vmem_shared>>) offsets(%dma_start3A_59 : memref<128xi32, #tpu.memory_space<vmem>>) semaphore(%run_scoped3A : memref<!tpu.dma_semaphore, #tpu.memory_space<semaphore_mem>>) {add = true}
        %dma_wait3A_63 = arith.constant 0 : i32
        %dma_wait3A_64 = tpu.memref_slice %arg8[%add3A_30, %dma_wait3A_63] : memref<40x128xi32, #tpu.memory_space<vmem>> -> memref<1x128xi32, #tpu.memory_space<vmem>>
        %dma_wait3A_65 = tpu.memref_squeeze %dma_wait3A_64 : memref<1x128xi32, #tpu.memory_space<vmem>> -> memref<128xi32, #tpu.memory_space<vmem>>
        %dma_wait3A_66 = arith.constant 0 : i32
        %dma_wait3A_67 = arith.constant 0 : i32
        %dma_wait3A_68 = tpu.memref_slice %arg11[%dma_wait3A_66, %dma_wait3A_67] : memref<10240x128xf32, #tpu.memory_space<vmem_shared>> -> memref<10240x128xf32, #tpu.memory_space<vmem_shared>>
        tpu.wait_indirect_dma semaphore(%run_scoped3A : memref<!tpu.dma_semaphore, #tpu.memory_space<semaphore_mem>>) src(%arg9 : memref<128x128xf32, #tpu.memory_space<vmem>>) dst(%dma_wait3A_68 : memref<10240x128xf32, #tpu.memory_space<vmem_shared>>)
        tpu.yield
      }) : () -> ()
      %mul3A_40 = arith.constant 2 : i32
      %mul3A_41 = arith.muli %mul3A_40, %scan3A_26 : i32
      %add3A_42 = arith.constant 1 : i32
      %add3A_43 = arith.addi %mul3A_41, %add3A_42 : i32
      %add3A_44 = arith.constant 1 : i32
      %add3A_45 = arith.addi %add3A_43, %add3A_44 : i32
      %lt3A_46 = arith.constant 40 : i32
      %lt3A_47 = arith.cmpi slt, %add3A_45, %lt3A_46 : i32
      %convert_element_type3A_48 = arith.extui %lt3A_47 : i1 to i32
      %cond3A_49 = arith.constant 0 : i32
      %cond3A_50 = arith.cmpi ne, %convert_element_type3A_48, %cond3A_49 : i32
      scf.if %cond3A_50 {
        %add3A_57 = arith.constant 1 : i32
        %add3A_58 = arith.addi %add3A_43, %add3A_57 : i32
        %dma_start3A_59 = arith.constant 0 : i32
        %dma_start3A_60 = tpu.memref_slice %arg7[%add3A_58, %dma_start3A_59] : memref<40x128xi32, #tpu.memory_space<vmem>> -> memref<1x128xi32, #tpu.memory_space<vmem>>
        %dma_start3A_61 = tpu.memref_squeeze %dma_start3A_60 : memref<1x128xi32, #tpu.memory_space<vmem>> -> memref<128xi32, #tpu.memory_space<vmem>>
        %dma_start3A_62 = arith.constant 0 : i32
        %dma_start3A_63 = arith.constant 0 : i32
        %dma_start3A_64 = tpu.memref_slice %arg4[%dma_start3A_62, %dma_start3A_63] : memref<10240x128xf32, #tpu.memory_space<hbm>> -> memref<10240x128xf32, #tpu.memory_space<hbm>>
        tpu.enqueue_indirect_dma source(%dma_start3A_64 : memref<10240x128xf32, #tpu.memory_space<hbm>>) target(%arg9 : memref<128x128xf32, #tpu.memory_space<vmem>>) offsets(%dma_start3A_61 : memref<128xi32, #tpu.memory_space<vmem>>) semaphore(%arg12 : memref<!tpu.dma_semaphore, #tpu.memory_space<semaphore_mem>>)
      } else {
      }
      %dma_wait3A_51 = arith.constant 0 : i32
      %dma_wait3A_52 = tpu.memref_slice %arg7[%add3A_43, %dma_wait3A_51] : memref<40x128xi32, #tpu.memory_space<vmem>> -> memref<1x128xi32, #tpu.memory_space<vmem>>
      %dma_wait3A_53 = tpu.memref_squeeze %dma_wait3A_52 : memref<1x128xi32, #tpu.memory_space<vmem>> -> memref<128xi32, #tpu.memory_space<vmem>>
      %dma_wait3A_54 = arith.constant 0 : i32
      %dma_wait3A_55 = arith.constant 0 : i32
      %dma_wait3A_56 = tpu.memref_slice %arg4[%dma_wait3A_54, %dma_wait3A_55] : memref<10240x128xf32, #tpu.memory_space<hbm>> -> memref<10240x128xf32, #tpu.memory_space<hbm>>
      tpu.wait_indirect_dma semaphore(%arg13 : memref<!tpu.dma_semaphore, #tpu.memory_space<semaphore_mem>>) src(%dma_wait3A_56 : memref<10240x128xf32, #tpu.memory_space<hbm>>) dst(%arg10 : memref<128x128xf32, #tpu.memory_space<vmem>>)
      "tpu.region"() ({
        %run_scoped3A = tpu.sem_alloc : memref<!tpu.dma_semaphore, #tpu.memory_space<semaphore_mem>>
        %dma_start3A_57 = arith.constant 0 : i32
        %dma_start3A_58 = tpu.memref_slice %arg8[%add3A_43, %dma_start3A_57] : memref<40x128xi32, #tpu.memory_space<vmem>> -> memref<1x128xi32, #tpu.memory_space<vmem>>
        %dma_start3A_59 = tpu.memref_squeeze %dma_start3A_58 : memref<1x128xi32, #tpu.memory_space<vmem>> -> memref<128xi32, #tpu.memory_space<vmem>>
        %dma_start3A_60 = arith.constant 0 : i32
        %dma_start3A_61 = arith.constant 0 : i32
        %dma_start3A_62 = tpu.memref_slice %arg11[%dma_start3A_60, %dma_start3A_61] : memref<10240x128xf32, #tpu.memory_space<vmem_shared>> -> memref<10240x128xf32, #tpu.memory_space<vmem_shared>>
        tpu.enqueue_indirect_dma source(%arg10 : memref<128x128xf32, #tpu.memory_space<vmem>>) target(%dma_start3A_62 : memref<10240x128xf32, #tpu.memory_space<vmem_shared>>) offsets(%dma_start3A_59 : memref<128xi32, #tpu.memory_space<vmem>>) semaphore(%run_scoped3A : memref<!tpu.dma_semaphore, #tpu.memory_space<semaphore_mem>>) {add = true}
        %dma_wait3A_63 = arith.constant 0 : i32
        %dma_wait3A_64 = tpu.memref_slice %arg8[%add3A_43, %dma_wait3A_63] : memref<40x128xi32, #tpu.memory_space<vmem>> -> memref<1x128xi32, #tpu.memory_space<vmem>>
        %dma_wait3A_65 = tpu.memref_squeeze %dma_wait3A_64 : memref<1x128xi32, #tpu.memory_space<vmem>> -> memref<128xi32, #tpu.memory_space<vmem>>
        %dma_wait3A_66 = arith.constant 0 : i32
        %dma_wait3A_67 = arith.constant 0 : i32
        %dma_wait3A_68 = tpu.memref_slice %arg11[%dma_wait3A_66, %dma_wait3A_67] : memref<10240x128xf32, #tpu.memory_space<vmem_shared>> -> memref<10240x128xf32, #tpu.memory_space<vmem_shared>>
        tpu.wait_indirect_dma semaphore(%run_scoped3A : memref<!tpu.dma_semaphore, #tpu.memory_space<semaphore_mem>>) src(%arg10 : memref<128x128xf32, #tpu.memory_space<vmem>>) dst(%dma_wait3A_68 : memref<10240x128xf32, #tpu.memory_space<vmem_shared>>)
        tpu.yield
      }) : () -> ()
    }
    %scan3A_12 = arith.constant 20 : i32
    "tpu.region"() ({
      %run_scoped3A = tpu.sem_alloc : memref<!tpu.dma_semaphore, #tpu.memory_space<semaphore_mem>>
      %dma_start3A_26 = arith.constant 40 : i32
      %dma_start3A_27 = arith.constant 0 : i32
      %dma_start3A_28 = tpu.memref_slice %arg2[%add3A, %dma_start3A_26, %dma_start3A_27] : memref<32x80x128xi32, #tpu.memory_space<hbm>> -> memref<1x40x128xi32, #tpu.memory_space<hbm>>
      %dma_start3A_29 = tpu.memref_squeeze %dma_start3A_28 : memref<1x40x128xi32, #tpu.memory_space<hbm>> -> memref<40x128xi32, #tpu.memory_space<hbm>>
      %dma_start3A_30 = arith.constant 40 : i32
      %dma_start3A_31 = arith.constant 0 : i32
      %dma_start3A_32 = tpu.memref_slice %arg2[%add3A, %dma_start3A_30, %dma_start3A_31] : memref<32x80x128xi32, #tpu.memory_space<hbm>> -> memref<1x40x128xi32, #tpu.memory_space<hbm>>
      %dma_start3A_33 = tpu.memref_squeeze %dma_start3A_32 : memref<1x40x128xi32, #tpu.memory_space<hbm>> -> memref<40x128xi32, #tpu.memory_space<hbm>>
      tpu.enqueue_dma source(%dma_start3A_33 : memref<40x128xi32, #tpu.memory_space<hbm>>) target(%arg7 : memref<40x128xi32, #tpu.memory_space<vmem>>) target_semaphore(%run_scoped3A : memref<!tpu.dma_semaphore, #tpu.memory_space<semaphore_mem>>)
      %dma_wait3A = arith.constant 40 : i32
      %dma_wait3A_34 = arith.constant 0 : i32
      %dma_wait3A_35 = tpu.memref_slice %arg2[%add3A, %dma_wait3A, %dma_wait3A_34] : memref<32x80x128xi32, #tpu.memory_space<hbm>> -> memref<1x40x128xi32, #tpu.memory_space<hbm>>
      %dma_wait3A_36 = tpu.memref_squeeze %dma_wait3A_35 : memref<1x40x128xi32, #tpu.memory_space<hbm>> -> memref<40x128xi32, #tpu.memory_space<hbm>>
      %dma_wait3A_37 = arith.constant 40 : i32
      %dma_wait3A_38 = arith.constant 0 : i32
      %dma_wait3A_39 = tpu.memref_slice %arg2[%add3A, %dma_wait3A_37, %dma_wait3A_38] : memref<32x80x128xi32, #tpu.memory_space<hbm>> -> memref<1x40x128xi32, #tpu.memory_space<hbm>>
      %dma_wait3A_40 = tpu.memref_squeeze %dma_wait3A_39 : memref<1x40x128xi32, #tpu.memory_space<hbm>> -> memref<40x128xi32, #tpu.memory_space<hbm>>
      tpu.wait_dma2 semaphore(%run_scoped3A : memref<!tpu.dma_semaphore, #tpu.memory_space<semaphore_mem>>) src(%dma_wait3A_40 : memref<40x128xi32, #tpu.memory_space<hbm>>) dst(%arg7 : memref<40x128xi32, #tpu.memory_space<vmem>>)
      tpu.yield
    }) : () -> ()
    "tpu.region"() ({
      %run_scoped3A = tpu.sem_alloc : memref<!tpu.dma_semaphore, #tpu.memory_space<semaphore_mem>>
      %dma_start3A_26 = arith.constant 40 : i32
      %dma_start3A_27 = arith.constant 0 : i32
      %dma_start3A_28 = tpu.memref_slice %arg3[%add3A, %dma_start3A_26, %dma_start3A_27] : memref<32x80x128xi32, #tpu.memory_space<hbm>> -> memref<1x40x128xi32, #tpu.memory_space<hbm>>
      %dma_start3A_29 = tpu.memref_squeeze %dma_start3A_28 : memref<1x40x128xi32, #tpu.memory_space<hbm>> -> memref<40x128xi32, #tpu.memory_space<hbm>>
      %dma_start3A_30 = arith.constant 40 : i32
      %dma_start3A_31 = arith.constant 0 : i32
      %dma_start3A_32 = tpu.memref_slice %arg3[%add3A, %dma_start3A_30, %dma_start3A_31] : memref<32x80x128xi32, #tpu.memory_space<hbm>> -> memref<1x40x128xi32, #tpu.memory_space<hbm>>
      %dma_start3A_33 = tpu.memref_squeeze %dma_start3A_32 : memref<1x40x128xi32, #tpu.memory_space<hbm>> -> memref<40x128xi32, #tpu.memory_space<hbm>>
      tpu.enqueue_dma source(%dma_start3A_33 : memref<40x128xi32, #tpu.memory_space<hbm>>) target(%arg8 : memref<40x128xi32, #tpu.memory_space<vmem>>) target_semaphore(%run_scoped3A : memref<!tpu.dma_semaphore, #tpu.memory_space<semaphore_mem>>)
      %dma_wait3A = arith.constant 40 : i32
      %dma_wait3A_34 = arith.constant 0 : i32
      %dma_wait3A_35 = tpu.memref_slice %arg3[%add3A, %dma_wait3A, %dma_wait3A_34] : memref<32x80x128xi32, #tpu.memory_space<hbm>> -> memref<1x40x128xi32, #tpu.memory_space<hbm>>
      %dma_wait3A_36 = tpu.memref_squeeze %dma_wait3A_35 : memref<1x40x128xi32, #tpu.memory_space<hbm>> -> memref<40x128xi32, #tpu.memory_space<hbm>>
      %dma_wait3A_37 = arith.constant 40 : i32
      %dma_wait3A_38 = arith.constant 0 : i32
      %dma_wait3A_39 = tpu.memref_slice %arg3[%add3A, %dma_wait3A_37, %dma_wait3A_38] : memref<32x80x128xi32, #tpu.memory_space<hbm>> -> memref<1x40x128xi32, #tpu.memory_space<hbm>>
      %dma_wait3A_40 = tpu.memref_squeeze %dma_wait3A_39 : memref<1x40x128xi32, #tpu.memory_space<hbm>> -> memref<40x128xi32, #tpu.memory_space<hbm>>
      tpu.wait_dma2 semaphore(%run_scoped3A : memref<!tpu.dma_semaphore, #tpu.memory_space<semaphore_mem>>) src(%dma_wait3A_40 : memref<40x128xi32, #tpu.memory_space<hbm>>) dst(%arg8 : memref<40x128xi32, #tpu.memory_space<vmem>>)
      tpu.yield
    }) : () -> ()
    %dma_start3A_13 = arith.constant 0 : i32
    %dma_start3A_14 = arith.constant 0 : i32
    %dma_start3A_15 = tpu.memref_slice %arg7[%dma_start3A_13, %dma_start3A_14] : memref<40x128xi32, #tpu.memory_space<vmem>> -> memref<1x128xi32, #tpu.memory_space<vmem>>
    %dma_start3A_16 = tpu.memref_squeeze %dma_start3A_15 : memref<1x128xi32, #tpu.memory_space<vmem>> -> memref<128xi32, #tpu.memory_space<vmem>>
    %dma_start3A_17 = arith.constant 0 : i32
    %dma_start3A_18 = arith.constant 0 : i32
    %dma_start3A_19 = tpu.memref_slice %arg4[%dma_start3A_17, %dma_start3A_18] : memref<10240x128xf32, #tpu.memory_space<hbm>> -> memref<10240x128xf32, #tpu.memory_space<hbm>>
    tpu.enqueue_indirect_dma source(%dma_start3A_19 : memref<10240x128xf32, #tpu.memory_space<hbm>>) target(%arg9 : memref<128x128xf32, #tpu.memory_space<vmem>>) offsets(%dma_start3A_16 : memref<128xi32, #tpu.memory_space<vmem>>) semaphore(%arg12 : memref<!tpu.dma_semaphore, #tpu.memory_space<semaphore_mem>>)
    %scan3A_20 = arith.constant 0 : i32
    %scan3A_21 = arith.constant 20 : i32
    %scan3A_22 = arith.addi %scan3A_20, %scan3A_21 : i32
    %scan3A_23 = arith.constant 1 : i32
    scf.for %scan3A_26 = %scan3A_20 to %scan3A_22 step %scan3A_23  : i32 {
      %mul3A_27 = arith.constant 2 : i32
      %mul3A_28 = arith.muli %mul3A_27, %scan3A_26 : i32
      %add3A_29 = arith.constant 0 : i32
      %add3A_30 = arith.addi %mul3A_28, %add3A_29 : i32
      %add3A_31 = arith.constant 1 : i32
      %add3A_32 = arith.addi %add3A_30, %add3A_31 : i32
      %lt3A = arith.constant 40 : i32
      %lt3A_33 = arith.cmpi slt, %add3A_32, %lt3A : i32
      %convert_element_type3A = arith.extui %lt3A_33 : i1 to i32
      %cond3A = arith.constant 0 : i32
      %cond3A_34 = arith.cmpi ne, %convert_element_type3A, %cond3A : i32
      scf.if %cond3A_34 {
        %add3A_57 = arith.constant 1 : i32
        %add3A_58 = arith.addi %add3A_30, %add3A_57 : i32
        %dma_start3A_59 = arith.constant 0 : i32
        %dma_start3A_60 = tpu.memref_slice %arg7[%add3A_58, %dma_start3A_59] : memref<40x128xi32, #tpu.memory_space<vmem>> -> memref<1x128xi32, #tpu.memory_space<vmem>>
        %dma_start3A_61 = tpu.memref_squeeze %dma_start3A_60 : memref<1x128xi32, #tpu.memory_space<vmem>> -> memref<128xi32, #tpu.memory_space<vmem>>
        %dma_start3A_62 = arith.constant 0 : i32
        %dma_start3A_63 = arith.constant 0 : i32
        %dma_start3A_64 = tpu.memref_slice %arg4[%dma_start3A_62, %dma_start3A_63] : memref<10240x128xf32, #tpu.memory_space<hbm>> -> memref<10240x128xf32, #tpu.memory_space<hbm>>
        tpu.enqueue_indirect_dma source(%dma_start3A_64 : memref<10240x128xf32, #tpu.memory_space<hbm>>) target(%arg10 : memref<128x128xf32, #tpu.memory_space<vmem>>) offsets(%dma_start3A_61 : memref<128xi32, #tpu.memory_space<vmem>>) semaphore(%arg13 : memref<!tpu.dma_semaphore, #tpu.memory_space<semaphore_mem>>)
      } else {
      }
      %dma_wait3A = arith.constant 0 : i32
      %dma_wait3A_35 = tpu.memref_slice %arg7[%add3A_30, %dma_wait3A] : memref<40x128xi32, #tpu.memory_space<vmem>> -> memref<1x128xi32, #tpu.memory_space<vmem>>
      %dma_wait3A_36 = tpu.memref_squeeze %dma_wait3A_35 : memref<1x128xi32, #tpu.memory_space<vmem>> -> memref<128xi32, #tpu.memory_space<vmem>>
      %dma_wait3A_37 = arith.constant 0 : i32
      %dma_wait3A_38 = arith.constant 0 : i32
      %dma_wait3A_39 = tpu.memref_slice %arg4[%dma_wait3A_37, %dma_wait3A_38] : memref<10240x128xf32, #tpu.memory_space<hbm>> -> memref<10240x128xf32, #tpu.memory_space<hbm>>
      tpu.wait_indirect_dma semaphore(%arg12 : memref<!tpu.dma_semaphore, #tpu.memory_space<semaphore_mem>>) src(%dma_wait3A_39 : memref<10240x128xf32, #tpu.memory_space<hbm>>) dst(%arg9 : memref<128x128xf32, #tpu.memory_space<vmem>>)
      "tpu.region"() ({
        %run_scoped3A = tpu.sem_alloc : memref<!tpu.dma_semaphore, #tpu.memory_space<semaphore_mem>>
        %dma_start3A_57 = arith.constant 0 : i32
        %dma_start3A_58 = tpu.memref_slice %arg8[%add3A_30, %dma_start3A_57] : memref<40x128xi32, #tpu.memory_space<vmem>> -> memref<1x128xi32, #tpu.memory_space<vmem>>
        %dma_start3A_59 = tpu.memref_squeeze %dma_start3A_58 : memref<1x128xi32, #tpu.memory_space<vmem>> -> memref<128xi32, #tpu.memory_space<vmem>>
        %dma_start3A_60 = arith.constant 0 : i32
        %dma_start3A_61 = arith.constant 0 : i32
        %dma_start3A_62 = tpu.memref_slice %arg11[%dma_start3A_60, %dma_start3A_61] : memref<10240x128xf32, #tpu.memory_space<vmem_shared>> -> memref<10240x128xf32, #tpu.memory_space<vmem_shared>>
        tpu.enqueue_indirect_dma source(%arg9 : memref<128x128xf32, #tpu.memory_space<vmem>>) target(%dma_start3A_62 : memref<10240x128xf32, #tpu.memory_space<vmem_shared>>) offsets(%dma_start3A_59 : memref<128xi32, #tpu.memory_space<vmem>>) semaphore(%run_scoped3A : memref<!tpu.dma_semaphore, #tpu.memory_space<semaphore_mem>>) {add = true}
        %dma_wait3A_63 = arith.constant 0 : i32
        %dma_wait3A_64 = tpu.memref_slice %arg8[%add3A_30, %dma_wait3A_63] : memref<40x128xi32, #tpu.memory_space<vmem>> -> memref<1x128xi32, #tpu.memory_space<vmem>>
        %dma_wait3A_65 = tpu.memref_squeeze %dma_wait3A_64 : memref<1x128xi32, #tpu.memory_space<vmem>> -> memref<128xi32, #tpu.memory_space<vmem>>
        %dma_wait3A_66 = arith.constant 0 : i32
        %dma_wait3A_67 = arith.constant 0 : i32
        %dma_wait3A_68 = tpu.memref_slice %arg11[%dma_wait3A_66, %dma_wait3A_67] : memref<10240x128xf32, #tpu.memory_space<vmem_shared>> -> memref<10240x128xf32, #tpu.memory_space<vmem_shared>>
        tpu.wait_indirect_dma semaphore(%run_scoped3A : memref<!tpu.dma_semaphore, #tpu.memory_space<semaphore_mem>>) src(%arg9 : memref<128x128xf32, #tpu.memory_space<vmem>>) dst(%dma_wait3A_68 : memref<10240x128xf32, #tpu.memory_space<vmem_shared>>)
        tpu.yield
      }) : () -> ()
      %mul3A_40 = arith.constant 2 : i32
      %mul3A_41 = arith.muli %mul3A_40, %scan3A_26 : i32
      %add3A_42 = arith.constant 1 : i32
      %add3A_43 = arith.addi %mul3A_41, %add3A_42 : i32
      %add3A_44 = arith.constant 1 : i32
      %add3A_45 = arith.addi %add3A_43, %add3A_44 : i32
      %lt3A_46 = arith.constant 40 : i32
      %lt3A_47 = arith.cmpi slt, %add3A_45, %lt3A_46 : i32
      %convert_element_type3A_48 = arith.extui %lt3A_47 : i1 to i32
      %cond3A_49 = arith.constant 0 : i32
      %cond3A_50 = arith.cmpi ne, %convert_element_type3A_48, %cond3A_49 : i32
      scf.if %cond3A_50 {
        %add3A_57 = arith.constant 1 : i32
        %add3A_58 = arith.addi %add3A_43, %add3A_57 : i32
        %dma_start3A_59 = arith.constant 0 : i32
        %dma_start3A_60 = tpu.memref_slice %arg7[%add3A_58, %dma_start3A_59] : memref<40x128xi32, #tpu.memory_space<vmem>> -> memref<1x128xi32, #tpu.memory_space<vmem>>
        %dma_start3A_61 = tpu.memref_squeeze %dma_start3A_60 : memref<1x128xi32, #tpu.memory_space<vmem>> -> memref<128xi32, #tpu.memory_space<vmem>>
        %dma_start3A_62 = arith.constant 0 : i32
        %dma_start3A_63 = arith.constant 0 : i32
        %dma_start3A_64 = tpu.memref_slice %arg4[%dma_start3A_62, %dma_start3A_63] : memref<10240x128xf32, #tpu.memory_space<hbm>> -> memref<10240x128xf32, #tpu.memory_space<hbm>>
        tpu.enqueue_indirect_dma source(%dma_start3A_64 : memref<10240x128xf32, #tpu.memory_space<hbm>>) target(%arg9 : memref<128x128xf32, #tpu.memory_space<vmem>>) offsets(%dma_start3A_61 : memref<128xi32, #tpu.memory_space<vmem>>) semaphore(%arg12 : memref<!tpu.dma_semaphore, #tpu.memory_space<semaphore_mem>>)
      } else {
      }
      %dma_wait3A_51 = arith.constant 0 : i32
      %dma_wait3A_52 = tpu.memref_slice %arg7[%add3A_43, %dma_wait3A_51] : memref<40x128xi32, #tpu.memory_space<vmem>> -> memref<1x128xi32, #tpu.memory_space<vmem>>
      %dma_wait3A_53 = tpu.memref_squeeze %dma_wait3A_52 : memref<1x128xi32, #tpu.memory_space<vmem>> -> memref<128xi32, #tpu.memory_space<vmem>>
      %dma_wait3A_54 = arith.constant 0 : i32
      %dma_wait3A_55 = arith.constant 0 : i32
      %dma_wait3A_56 = tpu.memref_slice %arg4[%dma_wait3A_54, %dma_wait3A_55] : memref<10240x128xf32, #tpu.memory_space<hbm>> -> memref<10240x128xf32, #tpu.memory_space<hbm>>
      tpu.wait_indirect_dma semaphore(%arg13 : memref<!tpu.dma_semaphore, #tpu.memory_space<semaphore_mem>>) src(%dma_wait3A_56 : memref<10240x128xf32, #tpu.memory_space<hbm>>) dst(%arg10 : memref<128x128xf32, #tpu.memory_space<vmem>>)
      "tpu.region"() ({
        %run_scoped3A = tpu.sem_alloc : memref<!tpu.dma_semaphore, #tpu.memory_space<semaphore_mem>>
        %dma_start3A_57 = arith.constant 0 : i32
        %dma_start3A_58 = tpu.memref_slice %arg8[%add3A_43, %dma_start3A_57] : memref<40x128xi32, #tpu.memory_space<vmem>> -> memref<1x128xi32, #tpu.memory_space<vmem>>
        %dma_start3A_59 = tpu.memref_squeeze %dma_start3A_58 : memref<1x128xi32, #tpu.memory_space<vmem>> -> memref<128xi32, #tpu.memory_space<vmem>>
        %dma_start3A_60 = arith.constant 0 : i32
        %dma_start3A_61 = arith.constant 0 : i32
        %dma_start3A_62 = tpu.memref_slice %arg11[%dma_start3A_60, %dma_start3A_61] : memref<10240x128xf32, #tpu.memory_space<vmem_shared>> -> memref<10240x128xf32, #tpu.memory_space<vmem_shared>>
        tpu.enqueue_indirect_dma source(%arg10 : memref<128x128xf32, #tpu.memory_space<vmem>>) target(%dma_start3A_62 : memref<10240x128xf32, #tpu.memory_space<vmem_shared>>) offsets(%dma_start3A_59 : memref<128xi32, #tpu.memory_space<vmem>>) semaphore(%run_scoped3A : memref<!tpu.dma_semaphore, #tpu.memory_space<semaphore_mem>>) {add = true}
        %dma_wait3A_63 = arith.constant 0 : i32
        %dma_wait3A_64 = tpu.memref_slice %arg8[%add3A_43, %dma_wait3A_63] : memref<40x128xi32, #tpu.memory_space<vmem>> -> memref<1x128xi32, #tpu.memory_space<vmem>>
        %dma_wait3A_65 = tpu.memref_squeeze %dma_wait3A_64 : memref<1x128xi32, #tpu.memory_space<vmem>> -> memref<128xi32, #tpu.memory_space<vmem>>
        %dma_wait3A_66 = arith.constant 0 : i32
        %dma_wait3A_67 = arith.constant 0 : i32
        %dma_wait3A_68 = tpu.memref_slice %arg11[%dma_wait3A_66, %dma_wait3A_67] : memref<10240x128xf32, #tpu.memory_space<vmem_shared>> -> memref<10240x128xf32, #tpu.memory_space<vmem_shared>>
        tpu.wait_indirect_dma semaphore(%run_scoped3A : memref<!tpu.dma_semaphore, #tpu.memory_space<semaphore_mem>>) src(%arg10 : memref<128x128xf32, #tpu.memory_space<vmem>>) dst(%dma_wait3A_68 : memref<10240x128xf32, #tpu.memory_space<vmem_shared>>)
        tpu.yield
      }) : () -> ()
    }
    %scan3A_24 = arith.constant 20 : i32
    %barrier3A_25 = arith.constant 0 : index
    tpu.barrier barrier_id(%barrier3A_25)
    "tpu.region"() ({
      %run_scoped3A = tpu.sem_alloc : memref<!tpu.dma_semaphore, #tpu.memory_space<semaphore_mem>>
      %dma_start3A_26 = arith.constant 0 : i32
      %dma_start3A_27 = tpu.memref_slice %arg6[%arg0, %mul3A_2, %dma_start3A_26] : memref<2x10240x128xf32, #tpu.memory_space<hbm>> -> memref<1x640x128xf32, #tpu.memory_space<hbm>>
      %dma_start3A_28 = tpu.memref_squeeze %dma_start3A_27 : memref<1x640x128xf32, #tpu.memory_space<hbm>> -> memref<640x128xf32, #tpu.memory_space<hbm>>
      %dma_start3A_29 = arith.constant 0 : i32
      %dma_start3A_30 = tpu.memref_slice %arg11[%mul3A_2, %dma_start3A_29] : memref<10240x128xf32, #tpu.memory_space<vmem_shared>> -> memref<640x128xf32, #tpu.memory_space<vmem_shared>>
      tpu.enqueue_dma source(%dma_start3A_30 : memref<640x128xf32, #tpu.memory_space<vmem_shared>>) target(%dma_start3A_28 : memref<640x128xf32, #tpu.memory_space<hbm>>) target_semaphore(%run_scoped3A : memref<!tpu.dma_semaphore, #tpu.memory_space<semaphore_mem>>)
      %dma_wait3A = arith.constant 0 : i32
      %dma_wait3A_31 = tpu.memref_slice %arg6[%arg0, %mul3A_2, %dma_wait3A] : memref<2x10240x128xf32, #tpu.memory_space<hbm>> -> memref<1x640x128xf32, #tpu.memory_space<hbm>>
      %dma_wait3A_32 = tpu.memref_squeeze %dma_wait3A_31 : memref<1x640x128xf32, #tpu.memory_space<hbm>> -> memref<640x128xf32, #tpu.memory_space<hbm>>
      %dma_wait3A_33 = arith.constant 0 : i32
      %dma_wait3A_34 = tpu.memref_slice %arg11[%mul3A_2, %dma_wait3A_33] : memref<10240x128xf32, #tpu.memory_space<vmem_shared>> -> memref<640x128xf32, #tpu.memory_space<vmem_shared>>
      tpu.wait_dma2 semaphore(%run_scoped3A : memref<!tpu.dma_semaphore, #tpu.memory_space<semaphore_mem>>) src(%dma_wait3A_34 : memref<640x128xf32, #tpu.memory_space<vmem_shared>>) dst(%dma_wait3A_32 : memref<640x128xf32, #tpu.memory_space<hbm>>)
      tpu.yield
    }) : () -> ()
    return
  }
}

#map = affine_map<(d0, d1) -> (0, 0, 0)>
#map1 = affine_map<(d0, d1) -> (0, 0)>
module attributes {stable_mosaic.version = 14 : i64} {
  func.func @deg_pass(%arg0: i32, %arg1: i32, %arg2: memref<32x80x128xi32, #tpu.memory_space<hbm>>, %arg3: memref<128x128xf32, #tpu.memory_space<hbm>>, %arg4: memref<10240x128xf32, #tpu.memory_space<hbm>>, %arg5: memref<2x10240x128xf32, #tpu.memory_space<hbm>>, %arg6: memref<80x128xi32, #tpu.memory_space<vmem>>, %arg7: memref<128x128xf32, #tpu.memory_space<vmem>>, %arg8: memref<10240x128xf32, #tpu.memory_space<vmem_shared>>) attributes {dimension_semantics = [#tpu.dimension_semantics<core_parallel>, #tpu.dimension_semantics<subcore_parallel>], iteration_bounds = array<i64: 2, 16>, scalar_prefetch = 0 : i64, scratch_operands = 3 : i64, tpu.core_type = #tpu.core_type<sc_vector_subcore>, window_params = [{transform_indices = #map}, {transform_indices = #map1}, {transform_indices = #map1}, {transform_indices = #map}]} {
    %mul3A = arith.constant 16 : i32
    %mul3A_0 = arith.muli %arg0, %mul3A : i32
    %add3A = arith.addi %mul3A_0, %arg1 : i32
    "tpu.region"() ({
      %run_scoped3A = tpu.sem_alloc : memref<!tpu.dma_semaphore, #tpu.memory_space<semaphore_mem>>
      tpu.enqueue_dma source(%arg3 : memref<128x128xf32, #tpu.memory_space<hbm>>) target(%arg7 : memref<128x128xf32, #tpu.memory_space<vmem>>) target_semaphore(%run_scoped3A : memref<!tpu.dma_semaphore, #tpu.memory_space<semaphore_mem>>)
      tpu.wait_dma2 semaphore(%run_scoped3A : memref<!tpu.dma_semaphore, #tpu.memory_space<semaphore_mem>>) src(%arg3 : memref<128x128xf32, #tpu.memory_space<hbm>>) dst(%arg7 : memref<128x128xf32, #tpu.memory_space<vmem>>)
      tpu.yield
    }) : () -> ()
    "tpu.region"() ({
      %run_scoped3A = tpu.sem_alloc : memref<!tpu.dma_semaphore, #tpu.memory_space<semaphore_mem>>
      %dma_start3A = arith.constant 0 : i32
      %dma_start3A_8 = arith.constant 0 : i32
      %dma_start3A_9 = tpu.memref_slice %arg2[%add3A, %dma_start3A, %dma_start3A_8] : memref<32x80x128xi32, #tpu.memory_space<hbm>> -> memref<1x80x128xi32, #tpu.memory_space<hbm>>
      %dma_start3A_10 = tpu.memref_squeeze %dma_start3A_9 : memref<1x80x128xi32, #tpu.memory_space<hbm>> -> memref<80x128xi32, #tpu.memory_space<hbm>>
      %dma_start3A_11 = arith.constant 0 : i32
      %dma_start3A_12 = arith.constant 0 : i32
      %dma_start3A_13 = tpu.memref_slice %arg2[%add3A, %dma_start3A_11, %dma_start3A_12] : memref<32x80x128xi32, #tpu.memory_space<hbm>> -> memref<1x80x128xi32, #tpu.memory_space<hbm>>
      %dma_start3A_14 = tpu.memref_squeeze %dma_start3A_13 : memref<1x80x128xi32, #tpu.memory_space<hbm>> -> memref<80x128xi32, #tpu.memory_space<hbm>>
      tpu.enqueue_dma source(%dma_start3A_14 : memref<80x128xi32, #tpu.memory_space<hbm>>) target(%arg6 : memref<80x128xi32, #tpu.memory_space<vmem>>) target_semaphore(%run_scoped3A : memref<!tpu.dma_semaphore, #tpu.memory_space<semaphore_mem>>)
      %dma_wait3A = arith.constant 0 : i32
      %dma_wait3A_15 = arith.constant 0 : i32
      %dma_wait3A_16 = tpu.memref_slice %arg2[%add3A, %dma_wait3A, %dma_wait3A_15] : memref<32x80x128xi32, #tpu.memory_space<hbm>> -> memref<1x80x128xi32, #tpu.memory_space<hbm>>
      %dma_wait3A_17 = tpu.memref_squeeze %dma_wait3A_16 : memref<1x80x128xi32, #tpu.memory_space<hbm>> -> memref<80x128xi32, #tpu.memory_space<hbm>>
      %dma_wait3A_18 = arith.constant 0 : i32
      %dma_wait3A_19 = arith.constant 0 : i32
      %dma_wait3A_20 = tpu.memref_slice %arg2[%add3A, %dma_wait3A_18, %dma_wait3A_19] : memref<32x80x128xi32, #tpu.memory_space<hbm>> -> memref<1x80x128xi32, #tpu.memory_space<hbm>>
      %dma_wait3A_21 = tpu.memref_squeeze %dma_wait3A_20 : memref<1x80x128xi32, #tpu.memory_space<hbm>> -> memref<80x128xi32, #tpu.memory_space<hbm>>
      tpu.wait_dma2 semaphore(%run_scoped3A : memref<!tpu.dma_semaphore, #tpu.memory_space<semaphore_mem>>) src(%dma_wait3A_21 : memref<80x128xi32, #tpu.memory_space<hbm>>) dst(%arg6 : memref<80x128xi32, #tpu.memory_space<vmem>>)
      tpu.yield
    }) : () -> ()
    %mul3A_1 = arith.constant 640 : i32
    %mul3A_2 = arith.muli %arg1, %mul3A_1 : i32
    "tpu.region"() ({
      %run_scoped3A = tpu.sem_alloc : memref<!tpu.dma_semaphore, #tpu.memory_space<semaphore_mem>>
      %dma_start3A = arith.constant 0 : i32
      %dma_start3A_8 = tpu.memref_slice %arg8[%mul3A_2, %dma_start3A] : memref<10240x128xf32, #tpu.memory_space<vmem_shared>> -> memref<640x128xf32, #tpu.memory_space<vmem_shared>>
      %dma_start3A_9 = arith.constant 0 : i32
      %dma_start3A_10 = tpu.memref_slice %arg4[%mul3A_2, %dma_start3A_9] : memref<10240x128xf32, #tpu.memory_space<hbm>> -> memref<640x128xf32, #tpu.memory_space<hbm>>
      tpu.enqueue_dma source(%dma_start3A_10 : memref<640x128xf32, #tpu.memory_space<hbm>>) target(%dma_start3A_8 : memref<640x128xf32, #tpu.memory_space<vmem_shared>>) target_semaphore(%run_scoped3A : memref<!tpu.dma_semaphore, #tpu.memory_space<semaphore_mem>>)
      %dma_wait3A = arith.constant 0 : i32
      %dma_wait3A_11 = tpu.memref_slice %arg8[%mul3A_2, %dma_wait3A] : memref<10240x128xf32, #tpu.memory_space<vmem_shared>> -> memref<640x128xf32, #tpu.memory_space<vmem_shared>>
      %dma_wait3A_12 = arith.constant 0 : i32
      %dma_wait3A_13 = tpu.memref_slice %arg4[%mul3A_2, %dma_wait3A_12] : memref<10240x128xf32, #tpu.memory_space<hbm>> -> memref<640x128xf32, #tpu.memory_space<hbm>>
      tpu.wait_dma2 semaphore(%run_scoped3A : memref<!tpu.dma_semaphore, #tpu.memory_space<semaphore_mem>>) src(%dma_wait3A_13 : memref<640x128xf32, #tpu.memory_space<hbm>>) dst(%dma_wait3A_11 : memref<640x128xf32, #tpu.memory_space<vmem_shared>>)
      tpu.yield
    }) : () -> ()
    %barrier3A = arith.constant 0 : index
    tpu.barrier barrier_id(%barrier3A)
    %scan3A = arith.constant 0 : i32
    %scan3A_3 = arith.constant 80 : i32
    %scan3A_4 = arith.addi %scan3A, %scan3A_3 : i32
    %scan3A_5 = arith.constant 1 : i32
    scf.for %scan3A_8 = %scan3A to %scan3A_4 step %scan3A_5  : i32 {
      "tpu.region"() ({
        %run_scoped3A = tpu.sem_alloc : memref<!tpu.dma_semaphore, #tpu.memory_space<semaphore_mem>>
        %dma_start3A = arith.constant 0 : i32
        %dma_start3A_9 = tpu.memref_slice %arg6[%scan3A_8, %dma_start3A] : memref<80x128xi32, #tpu.memory_space<vmem>> -> memref<1x128xi32, #tpu.memory_space<vmem>>
        %dma_start3A_10 = tpu.memref_squeeze %dma_start3A_9 : memref<1x128xi32, #tpu.memory_space<vmem>> -> memref<128xi32, #tpu.memory_space<vmem>>
        %dma_start3A_11 = arith.constant 0 : i32
        %dma_start3A_12 = arith.constant 0 : i32
        %dma_start3A_13 = tpu.memref_slice %arg8[%dma_start3A_11, %dma_start3A_12] : memref<10240x128xf32, #tpu.memory_space<vmem_shared>> -> memref<10240x128xf32, #tpu.memory_space<vmem_shared>>
        tpu.enqueue_indirect_dma source(%arg7 : memref<128x128xf32, #tpu.memory_space<vmem>>) target(%dma_start3A_13 : memref<10240x128xf32, #tpu.memory_space<vmem_shared>>) offsets(%dma_start3A_10 : memref<128xi32, #tpu.memory_space<vmem>>) semaphore(%run_scoped3A : memref<!tpu.dma_semaphore, #tpu.memory_space<semaphore_mem>>) {add = true}
        %dma_wait3A = arith.constant 0 : i32
        %dma_wait3A_14 = tpu.memref_slice %arg6[%scan3A_8, %dma_wait3A] : memref<80x128xi32, #tpu.memory_space<vmem>> -> memref<1x128xi32, #tpu.memory_space<vmem>>
        %dma_wait3A_15 = tpu.memref_squeeze %dma_wait3A_14 : memref<1x128xi32, #tpu.memory_space<vmem>> -> memref<128xi32, #tpu.memory_space<vmem>>
        %dma_wait3A_16 = arith.constant 0 : i32
        %dma_wait3A_17 = arith.constant 0 : i32
        %dma_wait3A_18 = tpu.memref_slice %arg8[%dma_wait3A_16, %dma_wait3A_17] : memref<10240x128xf32, #tpu.memory_space<vmem_shared>> -> memref<10240x128xf32, #tpu.memory_space<vmem_shared>>
        tpu.wait_indirect_dma semaphore(%run_scoped3A : memref<!tpu.dma_semaphore, #tpu.memory_space<semaphore_mem>>) src(%arg7 : memref<128x128xf32, #tpu.memory_space<vmem>>) dst(%dma_wait3A_18 : memref<10240x128xf32, #tpu.memory_space<vmem_shared>>)
        tpu.yield
      }) : () -> ()
    }
    %scan3A_6 = arith.constant 80 : i32
    %barrier3A_7 = arith.constant 0 : index
    tpu.barrier barrier_id(%barrier3A_7)
    "tpu.region"() ({
      %run_scoped3A = tpu.sem_alloc : memref<!tpu.dma_semaphore, #tpu.memory_space<semaphore_mem>>
      %dma_start3A = arith.constant 0 : i32
      %dma_start3A_8 = tpu.memref_slice %arg5[%arg0, %mul3A_2, %dma_start3A] : memref<2x10240x128xf32, #tpu.memory_space<hbm>> -> memref<1x640x128xf32, #tpu.memory_space<hbm>>
      %dma_start3A_9 = tpu.memref_squeeze %dma_start3A_8 : memref<1x640x128xf32, #tpu.memory_space<hbm>> -> memref<640x128xf32, #tpu.memory_space<hbm>>
      %dma_start3A_10 = arith.constant 0 : i32
      %dma_start3A_11 = tpu.memref_slice %arg8[%mul3A_2, %dma_start3A_10] : memref<10240x128xf32, #tpu.memory_space<vmem_shared>> -> memref<640x128xf32, #tpu.memory_space<vmem_shared>>
      tpu.enqueue_dma source(%dma_start3A_11 : memref<640x128xf32, #tpu.memory_space<vmem_shared>>) target(%dma_start3A_9 : memref<640x128xf32, #tpu.memory_space<hbm>>) target_semaphore(%run_scoped3A : memref<!tpu.dma_semaphore, #tpu.memory_space<semaphore_mem>>)
      %dma_wait3A = arith.constant 0 : i32
      %dma_wait3A_12 = tpu.memref_slice %arg5[%arg0, %mul3A_2, %dma_wait3A] : memref<2x10240x128xf32, #tpu.memory_space<hbm>> -> memref<1x640x128xf32, #tpu.memory_space<hbm>>
      %dma_wait3A_13 = tpu.memref_squeeze %dma_wait3A_12 : memref<1x640x128xf32, #tpu.memory_space<hbm>> -> memref<640x128xf32, #tpu.memory_space<hbm>>
      %dma_wait3A_14 = arith.constant 0 : i32
      %dma_wait3A_15 = tpu.memref_slice %arg8[%mul3A_2, %dma_wait3A_14] : memref<10240x128xf32, #tpu.memory_space<vmem_shared>> -> memref<640x128xf32, #tpu.memory_space<vmem_shared>>
      tpu.wait_dma2 semaphore(%run_scoped3A : memref<!tpu.dma_semaphore, #tpu.memory_space<semaphore_mem>>) src(%dma_wait3A_15 : memref<640x128xf32, #tpu.memory_space<vmem_shared>>) dst(%dma_wait3A_13 : memref<640x128xf32, #tpu.memory_space<hbm>>)
      tpu.yield
    }) : () -> ()
    return
  }
}

#map = affine_map<(d0, d1) -> (0, 0, 0)>
#map1 = affine_map<(d0, d1) -> (0, 0)>
module attributes {stable_mosaic.version = 14 : i64} {
  func.func @edge_pass(%arg0: i32, %arg1: i32, %arg2: memref<32x80x128xi32, #tpu.memory_space<hbm>>, %arg3: memref<32x80x128xi32, #tpu.memory_space<hbm>>, %arg4: memref<10240x128xf32, #tpu.memory_space<hbm>>, %arg5: memref<10240x128xf32, #tpu.memory_space<hbm>>, %arg6: memref<2x10240x128xf32, #tpu.memory_space<hbm>>, %arg7: memref<40x128xi32, #tpu.memory_space<vmem>>, %arg8: memref<40x128xi32, #tpu.memory_space<vmem>>, %arg9: memref<128x128xf32, #tpu.memory_space<vmem>>, %arg10: memref<128x128xf32, #tpu.memory_space<vmem>>, %arg11: memref<10240x128xf32, #tpu.memory_space<vmem_shared>>, %arg12: memref<!tpu.dma_semaphore, #tpu.memory_space<semaphore_mem>>, %arg13: memref<!tpu.dma_semaphore, #tpu.memory_space<semaphore_mem>>) attributes {dimension_semantics = [#tpu.dimension_semantics<core_parallel>, #tpu.dimension_semantics<subcore_parallel>], iteration_bounds = array<i64: 2, 16>, scalar_prefetch = 0 : i64, scratch_operands = 7 : i64, tpu.core_type = #tpu.core_type<sc_vector_subcore>, window_params = [{transform_indices = #map}, {transform_indices = #map}, {transform_indices = #map1}, {transform_indices = #map1}, {transform_indices = #map}]} {
    %mul3A = arith.constant 16 : i32
    %mul3A_0 = arith.muli %arg0, %mul3A : i32
    %add3A = arith.addi %mul3A_0, %arg1 : i32
    %mul3A_1 = arith.constant 640 : i32
    %mul3A_2 = arith.muli %arg1, %mul3A_1 : i32
    "tpu.region"() ({
      %run_scoped3A = tpu.sem_alloc : memref<!tpu.dma_semaphore, #tpu.memory_space<semaphore_mem>>
      %dma_start3A_26 = arith.constant 0 : i32
      %dma_start3A_27 = tpu.memref_slice %arg11[%mul3A_2, %dma_start3A_26] : memref<10240x128xf32, #tpu.memory_space<vmem_shared>> -> memref<640x128xf32, #tpu.memory_space<vmem_shared>>
      %dma_start3A_28 = arith.constant 0 : i32
      %dma_start3A_29 = tpu.memref_slice %arg5[%mul3A_2, %dma_start3A_28] : memref<10240x128xf32, #tpu.memory_space<hbm>> -> memref<640x128xf32, #tpu.memory_space<hbm>>
      tpu.enqueue_dma source(%dma_start3A_29 : memref<640x128xf32, #tpu.memory_space<hbm>>) target(%dma_start3A_27 : memref<640x128xf32, #tpu.memory_space<vmem_shared>>) target_semaphore(%run_scoped3A : memref<!tpu.dma_semaphore, #tpu.memory_space<semaphore_mem>>)
      %dma_wait3A = arith.constant 0 : i32
      %dma_wait3A_30 = tpu.memref_slice %arg11[%mul3A_2, %dma_wait3A] : memref<10240x128xf32, #tpu.memory_space<vmem_shared>> -> memref<640x128xf32, #tpu.memory_space<vmem_shared>>
      %dma_wait3A_31 = arith.constant 0 : i32
      %dma_wait3A_32 = tpu.memref_slice %arg5[%mul3A_2, %dma_wait3A_31] : memref<10240x128xf32, #tpu.memory_space<hbm>> -> memref<640x128xf32, #tpu.memory_space<hbm>>
      tpu.wait_dma2 semaphore(%run_scoped3A : memref<!tpu.dma_semaphore, #tpu.memory_space<semaphore_mem>>) src(%dma_wait3A_32 : memref<640x128xf32, #tpu.memory_space<hbm>>) dst(%dma_wait3A_30 : memref<640x128xf32, #tpu.memory_space<vmem_shared>>)
      tpu.yield
    }) : () -> ()
    %barrier3A = arith.constant 0 : index
    tpu.barrier barrier_id(%barrier3A)
    "tpu.region"() ({
      %run_scoped3A = tpu.sem_alloc : memref<!tpu.dma_semaphore, #tpu.memory_space<semaphore_mem>>
      %dma_start3A_26 = arith.constant 0 : i32
      %dma_start3A_27 = arith.constant 0 : i32
      %dma_start3A_28 = tpu.memref_slice %arg2[%add3A, %dma_start3A_26, %dma_start3A_27] : memref<32x80x128xi32, #tpu.memory_space<hbm>> -> memref<1x40x128xi32, #tpu.memory_space<hbm>>
      %dma_start3A_29 = tpu.memref_squeeze %dma_start3A_28 : memref<1x40x128xi32, #tpu.memory_space<hbm>> -> memref<40x128xi32, #tpu.memory_space<hbm>>
      %dma_start3A_30 = arith.constant 0 : i32
      %dma_start3A_31 = arith.constant 0 : i32
      %dma_start3A_32 = tpu.memref_slice %arg2[%add3A, %dma_start3A_30, %dma_start3A_31] : memref<32x80x128xi32, #tpu.memory_space<hbm>> -> memref<1x40x128xi32, #tpu.memory_space<hbm>>
      %dma_start3A_33 = tpu.memref_squeeze %dma_start3A_32 : memref<1x40x128xi32, #tpu.memory_space<hbm>> -> memref<40x128xi32, #tpu.memory_space<hbm>>
      tpu.enqueue_dma source(%dma_start3A_33 : memref<40x128xi32, #tpu.memory_space<hbm>>) target(%arg7 : memref<40x128xi32, #tpu.memory_space<vmem>>) target_semaphore(%run_scoped3A : memref<!tpu.dma_semaphore, #tpu.memory_space<semaphore_mem>>)
      %dma_wait3A = arith.constant 0 : i32
      %dma_wait3A_34 = arith.constant 0 : i32
      %dma_wait3A_35 = tpu.memref_slice %arg2[%add3A, %dma_wait3A, %dma_wait3A_34] : memref<32x80x128xi32, #tpu.memory_space<hbm>> -> memref<1x40x128xi32, #tpu.memory_space<hbm>>
      %dma_wait3A_36 = tpu.memref_squeeze %dma_wait3A_35 : memref<1x40x128xi32, #tpu.memory_space<hbm>> -> memref<40x128xi32, #tpu.memory_space<hbm>>
      %dma_wait3A_37 = arith.constant 0 : i32
      %dma_wait3A_38 = arith.constant 0 : i32
      %dma_wait3A_39 = tpu.memref_slice %arg2[%add3A, %dma_wait3A_37, %dma_wait3A_38] : memref<32x80x128xi32, #tpu.memory_space<hbm>> -> memref<1x40x128xi32, #tpu.memory_space<hbm>>
      %dma_wait3A_40 = tpu.memref_squeeze %dma_wait3A_39 : memref<1x40x128xi32, #tpu.memory_space<hbm>> -> memref<40x128xi32, #tpu.memory_space<hbm>>
      tpu.wait_dma2 semaphore(%run_scoped3A : memref<!tpu.dma_semaphore, #tpu.memory_space<semaphore_mem>>) src(%dma_wait3A_40 : memref<40x128xi32, #tpu.memory_space<hbm>>) dst(%arg7 : memref<40x128xi32, #tpu.memory_space<vmem>>)
      tpu.yield
    }) : () -> ()
    "tpu.region"() ({
      %run_scoped3A = tpu.sem_alloc : memref<!tpu.dma_semaphore, #tpu.memory_space<semaphore_mem>>
      %dma_start3A_26 = arith.constant 0 : i32
      %dma_start3A_27 = arith.constant 0 : i32
      %dma_start3A_28 = tpu.memref_slice %arg3[%add3A, %dma_start3A_26, %dma_start3A_27] : memref<32x80x128xi32, #tpu.memory_space<hbm>> -> memref<1x40x128xi32, #tpu.memory_space<hbm>>
      %dma_start3A_29 = tpu.memref_squeeze %dma_start3A_28 : memref<1x40x128xi32, #tpu.memory_space<hbm>> -> memref<40x128xi32, #tpu.memory_space<hbm>>
      %dma_start3A_30 = arith.constant 0 : i32
      %dma_start3A_31 = arith.constant 0 : i32
      %dma_start3A_32 = tpu.memref_slice %arg3[%add3A, %dma_start3A_30, %dma_start3A_31] : memref<32x80x128xi32, #tpu.memory_space<hbm>> -> memref<1x40x128xi32, #tpu.memory_space<hbm>>
      %dma_start3A_33 = tpu.memref_squeeze %dma_start3A_32 : memref<1x40x128xi32, #tpu.memory_space<hbm>> -> memref<40x128xi32, #tpu.memory_space<hbm>>
      tpu.enqueue_dma source(%dma_start3A_33 : memref<40x128xi32, #tpu.memory_space<hbm>>) target(%arg8 : memref<40x128xi32, #tpu.memory_space<vmem>>) target_semaphore(%run_scoped3A : memref<!tpu.dma_semaphore, #tpu.memory_space<semaphore_mem>>)
      %dma_wait3A = arith.constant 0 : i32
      %dma_wait3A_34 = arith.constant 0 : i32
      %dma_wait3A_35 = tpu.memref_slice %arg3[%add3A, %dma_wait3A, %dma_wait3A_34] : memref<32x80x128xi32, #tpu.memory_space<hbm>> -> memref<1x40x128xi32, #tpu.memory_space<hbm>>
      %dma_wait3A_36 = tpu.memref_squeeze %dma_wait3A_35 : memref<1x40x128xi32, #tpu.memory_space<hbm>> -> memref<40x128xi32, #tpu.memory_space<hbm>>
      %dma_wait3A_37 = arith.constant 0 : i32
      %dma_wait3A_38 = arith.constant 0 : i32
      %dma_wait3A_39 = tpu.memref_slice %arg3[%add3A, %dma_wait3A_37, %dma_wait3A_38] : memref<32x80x128xi32, #tpu.memory_space<hbm>> -> memref<1x40x128xi32, #tpu.memory_space<hbm>>
      %dma_wait3A_40 = tpu.memref_squeeze %dma_wait3A_39 : memref<1x40x128xi32, #tpu.memory_space<hbm>> -> memref<40x128xi32, #tpu.memory_space<hbm>>
      tpu.wait_dma2 semaphore(%run_scoped3A : memref<!tpu.dma_semaphore, #tpu.memory_space<semaphore_mem>>) src(%dma_wait3A_40 : memref<40x128xi32, #tpu.memory_space<hbm>>) dst(%arg8 : memref<40x128xi32, #tpu.memory_space<vmem>>)
      tpu.yield
    }) : () -> ()
    %dma_start3A = arith.constant 0 : i32
    %dma_start3A_3 = arith.constant 0 : i32
    %dma_start3A_4 = tpu.memref_slice %arg7[%dma_start3A, %dma_start3A_3] : memref<40x128xi32, #tpu.memory_space<vmem>> -> memref<1x128xi32, #tpu.memory_space<vmem>>
    %dma_start3A_5 = tpu.memref_squeeze %dma_start3A_4 : memref<1x128xi32, #tpu.memory_space<vmem>> -> memref<128xi32, #tpu.memory_space<vmem>>
    %dma_start3A_6 = arith.constant 0 : i32
    %dma_start3A_7 = arith.constant 0 : i32
    %dma_start3A_8 = tpu.memref_slice %arg4[%dma_start3A_6, %dma_start3A_7] : memref<10240x128xf32, #tpu.memory_space<hbm>> -> memref<10240x128xf32, #tpu.memory_space<hbm>>
    tpu.enqueue_indirect_dma source(%dma_start3A_8 : memref<10240x128xf32, #tpu.memory_space<hbm>>) target(%arg9 : memref<128x128xf32, #tpu.memory_space<vmem>>) offsets(%dma_start3A_5 : memref<128xi32, #tpu.memory_space<vmem>>) semaphore(%arg12 : memref<!tpu.dma_semaphore, #tpu.memory_space<semaphore_mem>>)
    %scan3A = arith.constant 0 : i32
    %scan3A_9 = arith.constant 20 : i32
    %scan3A_10 = arith.addi %scan3A, %scan3A_9 : i32
    %scan3A_11 = arith.constant 1 : i32
    scf.for %scan3A_26 = %scan3A to %scan3A_10 step %scan3A_11  : i32 {
      %mul3A_27 = arith.constant 2 : i32
      %mul3A_28 = arith.muli %mul3A_27, %scan3A_26 : i32
      %add3A_29 = arith.constant 0 : i32
      %add3A_30 = arith.addi %mul3A_28, %add3A_29 : i32
      %add3A_31 = arith.constant 1 : i32
      %add3A_32 = arith.addi %add3A_30, %add3A_31 : i32
      %lt3A = arith.constant 40 : i32
      %lt3A_33 = arith.cmpi slt, %add3A_32, %lt3A : i32
      %convert_element_type3A = arith.extui %lt3A_33 : i1 to i32
      %cond3A = arith.constant 0 : i32
      %cond3A_34 = arith.cmpi ne, %convert_element_type3A, %cond3A : i32
      scf.if %cond3A_34 {
        %add3A_57 = arith.constant 1 : i32
        %add3A_58 = arith.addi %add3A_30, %add3A_57 : i32
        %dma_start3A_59 = arith.constant 0 : i32
        %dma_start3A_60 = tpu.memref_slice %arg7[%add3A_58, %dma_start3A_59] : memref<40x128xi32, #tpu.memory_space<vmem>> -> memref<1x128xi32, #tpu.memory_space<vmem>>
        %dma_start3A_61 = tpu.memref_squeeze %dma_start3A_60 : memref<1x128xi32, #tpu.memory_space<vmem>> -> memref<128xi32, #tpu.memory_space<vmem>>
        %dma_start3A_62 = arith.constant 0 : i32
        %dma_start3A_63 = arith.constant 0 : i32
        %dma_start3A_64 = tpu.memref_slice %arg4[%dma_start3A_62, %dma_start3A_63] : memref<10240x128xf32, #tpu.memory_space<hbm>> -> memref<10240x128xf32, #tpu.memory_space<hbm>>
        tpu.enqueue_indirect_dma source(%dma_start3A_64 : memref<10240x128xf32, #tpu.memory_space<hbm>>) target(%arg10 : memref<128x128xf32, #tpu.memory_space<vmem>>) offsets(%dma_start3A_61 : memref<128xi32, #tpu.memory_space<vmem>>) semaphore(%arg13 : memref<!tpu.dma_semaphore, #tpu.memory_space<semaphore_mem>>)
      } else {
      }
      %dma_wait3A = arith.constant 0 : i32
      %dma_wait3A_35 = tpu.memref_slice %arg7[%add3A_30, %dma_wait3A] : memref<40x128xi32, #tpu.memory_space<vmem>> -> memref<1x128xi32, #tpu.memory_space<vmem>>
      %dma_wait3A_36 = tpu.memref_squeeze %dma_wait3A_35 : memref<1x128xi32, #tpu.memory_space<vmem>> -> memref<128xi32, #tpu.memory_space<vmem>>
      %dma_wait3A_37 = arith.constant 0 : i32
      %dma_wait3A_38 = arith.constant 0 : i32
      %dma_wait3A_39 = tpu.memref_slice %arg4[%dma_wait3A_37, %dma_wait3A_38] : memref<10240x128xf32, #tpu.memory_space<hbm>> -> memref<10240x128xf32, #tpu.memory_space<hbm>>
      tpu.wait_indirect_dma semaphore(%arg12 : memref<!tpu.dma_semaphore, #tpu.memory_space<semaphore_mem>>) src(%dma_wait3A_39 : memref<10240x128xf32, #tpu.memory_space<hbm>>) dst(%arg9 : memref<128x128xf32, #tpu.memory_space<vmem>>)
      "tpu.region"() ({
        %run_scoped3A = tpu.sem_alloc : memref<!tpu.dma_semaphore, #tpu.memory_space<semaphore_mem>>
        %dma_start3A_57 = arith.constant 0 : i32
        %dma_start3A_58 = tpu.memref_slice %arg8[%add3A_30, %dma_start3A_57] : memref<40x128xi32, #tpu.memory_space<vmem>> -> memref<1x128xi32, #tpu.memory_space<vmem>>
        %dma_start3A_59 = tpu.memref_squeeze %dma_start3A_58 : memref<1x128xi32, #tpu.memory_space<vmem>> -> memref<128xi32, #tpu.memory_space<vmem>>
        %dma_start3A_60 = arith.constant 0 : i32
        %dma_start3A_61 = arith.constant 0 : i32
        %dma_start3A_62 = tpu.memref_slice %arg11[%dma_start3A_60, %dma_start3A_61] : memref<10240x128xf32, #tpu.memory_space<vmem_shared>> -> memref<10240x128xf32, #tpu.memory_space<vmem_shared>>
        tpu.enqueue_indirect_dma source(%arg9 : memref<128x128xf32, #tpu.memory_space<vmem>>) target(%dma_start3A_62 : memref<10240x128xf32, #tpu.memory_space<vmem_shared>>) offsets(%dma_start3A_59 : memref<128xi32, #tpu.memory_space<vmem>>) semaphore(%run_scoped3A : memref<!tpu.dma_semaphore, #tpu.memory_space<semaphore_mem>>) {add = true}
        %dma_wait3A_63 = arith.constant 0 : i32
        %dma_wait3A_64 = tpu.memref_slice %arg8[%add3A_30, %dma_wait3A_63] : memref<40x128xi32, #tpu.memory_space<vmem>> -> memref<1x128xi32, #tpu.memory_space<vmem>>
        %dma_wait3A_65 = tpu.memref_squeeze %dma_wait3A_64 : memref<1x128xi32, #tpu.memory_space<vmem>> -> memref<128xi32, #tpu.memory_space<vmem>>
        %dma_wait3A_66 = arith.constant 0 : i32
        %dma_wait3A_67 = arith.constant 0 : i32
        %dma_wait3A_68 = tpu.memref_slice %arg11[%dma_wait3A_66, %dma_wait3A_67] : memref<10240x128xf32, #tpu.memory_space<vmem_shared>> -> memref<10240x128xf32, #tpu.memory_space<vmem_shared>>
        tpu.wait_indirect_dma semaphore(%run_scoped3A : memref<!tpu.dma_semaphore, #tpu.memory_space<semaphore_mem>>) src(%arg9 : memref<128x128xf32, #tpu.memory_space<vmem>>) dst(%dma_wait3A_68 : memref<10240x128xf32, #tpu.memory_space<vmem_shared>>)
        tpu.yield
      }) : () -> ()
      %mul3A_40 = arith.constant 2 : i32
      %mul3A_41 = arith.muli %mul3A_40, %scan3A_26 : i32
      %add3A_42 = arith.constant 1 : i32
      %add3A_43 = arith.addi %mul3A_41, %add3A_42 : i32
      %add3A_44 = arith.constant 1 : i32
      %add3A_45 = arith.addi %add3A_43, %add3A_44 : i32
      %lt3A_46 = arith.constant 40 : i32
      %lt3A_47 = arith.cmpi slt, %add3A_45, %lt3A_46 : i32
      %convert_element_type3A_48 = arith.extui %lt3A_47 : i1 to i32
      %cond3A_49 = arith.constant 0 : i32
      %cond3A_50 = arith.cmpi ne, %convert_element_type3A_48, %cond3A_49 : i32
      scf.if %cond3A_50 {
        %add3A_57 = arith.constant 1 : i32
        %add3A_58 = arith.addi %add3A_43, %add3A_57 : i32
        %dma_start3A_59 = arith.constant 0 : i32
        %dma_start3A_60 = tpu.memref_slice %arg7[%add3A_58, %dma_start3A_59] : memref<40x128xi32, #tpu.memory_space<vmem>> -> memref<1x128xi32, #tpu.memory_space<vmem>>
        %dma_start3A_61 = tpu.memref_squeeze %dma_start3A_60 : memref<1x128xi32, #tpu.memory_space<vmem>> -> memref<128xi32, #tpu.memory_space<vmem>>
        %dma_start3A_62 = arith.constant 0 : i32
        %dma_start3A_63 = arith.constant 0 : i32
        %dma_start3A_64 = tpu.memref_slice %arg4[%dma_start3A_62, %dma_start3A_63] : memref<10240x128xf32, #tpu.memory_space<hbm>> -> memref<10240x128xf32, #tpu.memory_space<hbm>>
        tpu.enqueue_indirect_dma source(%dma_start3A_64 : memref<10240x128xf32, #tpu.memory_space<hbm>>) target(%arg9 : memref<128x128xf32, #tpu.memory_space<vmem>>) offsets(%dma_start3A_61 : memref<128xi32, #tpu.memory_space<vmem>>) semaphore(%arg12 : memref<!tpu.dma_semaphore, #tpu.memory_space<semaphore_mem>>)
      } else {
      }
      %dma_wait3A_51 = arith.constant 0 : i32
      %dma_wait3A_52 = tpu.memref_slice %arg7[%add3A_43, %dma_wait3A_51] : memref<40x128xi32, #tpu.memory_space<vmem>> -> memref<1x128xi32, #tpu.memory_space<vmem>>
      %dma_wait3A_53 = tpu.memref_squeeze %dma_wait3A_52 : memref<1x128xi32, #tpu.memory_space<vmem>> -> memref<128xi32, #tpu.memory_space<vmem>>
      %dma_wait3A_54 = arith.constant 0 : i32
      %dma_wait3A_55 = arith.constant 0 : i32
      %dma_wait3A_56 = tpu.memref_slice %arg4[%dma_wait3A_54, %dma_wait3A_55] : memref<10240x128xf32, #tpu.memory_space<hbm>> -> memref<10240x128xf32, #tpu.memory_space<hbm>>
      tpu.wait_indirect_dma semaphore(%arg13 : memref<!tpu.dma_semaphore, #tpu.memory_space<semaphore_mem>>) src(%dma_wait3A_56 : memref<10240x128xf32, #tpu.memory_space<hbm>>) dst(%arg10 : memref<128x128xf32, #tpu.memory_space<vmem>>)
      "tpu.region"() ({
        %run_scoped3A = tpu.sem_alloc : memref<!tpu.dma_semaphore, #tpu.memory_space<semaphore_mem>>
        %dma_start3A_57 = arith.constant 0 : i32
        %dma_start3A_58 = tpu.memref_slice %arg8[%add3A_43, %dma_start3A_57] : memref<40x128xi32, #tpu.memory_space<vmem>> -> memref<1x128xi32, #tpu.memory_space<vmem>>
        %dma_start3A_59 = tpu.memref_squeeze %dma_start3A_58 : memref<1x128xi32, #tpu.memory_space<vmem>> -> memref<128xi32, #tpu.memory_space<vmem>>
        %dma_start3A_60 = arith.constant 0 : i32
        %dma_start3A_61 = arith.constant 0 : i32
        %dma_start3A_62 = tpu.memref_slice %arg11[%dma_start3A_60, %dma_start3A_61] : memref<10240x128xf32, #tpu.memory_space<vmem_shared>> -> memref<10240x128xf32, #tpu.memory_space<vmem_shared>>
        tpu.enqueue_indirect_dma source(%arg10 : memref<128x128xf32, #tpu.memory_space<vmem>>) target(%dma_start3A_62 : memref<10240x128xf32, #tpu.memory_space<vmem_shared>>) offsets(%dma_start3A_59 : memref<128xi32, #tpu.memory_space<vmem>>) semaphore(%run_scoped3A : memref<!tpu.dma_semaphore, #tpu.memory_space<semaphore_mem>>) {add = true}
        %dma_wait3A_63 = arith.constant 0 : i32
        %dma_wait3A_64 = tpu.memref_slice %arg8[%add3A_43, %dma_wait3A_63] : memref<40x128xi32, #tpu.memory_space<vmem>> -> memref<1x128xi32, #tpu.memory_space<vmem>>
        %dma_wait3A_65 = tpu.memref_squeeze %dma_wait3A_64 : memref<1x128xi32, #tpu.memory_space<vmem>> -> memref<128xi32, #tpu.memory_space<vmem>>
        %dma_wait3A_66 = arith.constant 0 : i32
        %dma_wait3A_67 = arith.constant 0 : i32
        %dma_wait3A_68 = tpu.memref_slice %arg11[%dma_wait3A_66, %dma_wait3A_67] : memref<10240x128xf32, #tpu.memory_space<vmem_shared>> -> memref<10240x128xf32, #tpu.memory_space<vmem_shared>>
        tpu.wait_indirect_dma semaphore(%run_scoped3A : memref<!tpu.dma_semaphore, #tpu.memory_space<semaphore_mem>>) src(%arg10 : memref<128x128xf32, #tpu.memory_space<vmem>>) dst(%dma_wait3A_68 : memref<10240x128xf32, #tpu.memory_space<vmem_shared>>)
        tpu.yield
      }) : () -> ()
    }
    %scan3A_12 = arith.constant 20 : i32
    "tpu.region"() ({
      %run_scoped3A = tpu.sem_alloc : memref<!tpu.dma_semaphore, #tpu.memory_space<semaphore_mem>>
      %dma_start3A_26 = arith.constant 40 : i32
      %dma_start3A_27 = arith.constant 0 : i32
      %dma_start3A_28 = tpu.memref_slice %arg2[%add3A, %dma_start3A_26, %dma_start3A_27] : memref<32x80x128xi32, #tpu.memory_space<hbm>> -> memref<1x40x128xi32, #tpu.memory_space<hbm>>
      %dma_start3A_29 = tpu.memref_squeeze %dma_start3A_28 : memref<1x40x128xi32, #tpu.memory_space<hbm>> -> memref<40x128xi32, #tpu.memory_space<hbm>>
      %dma_start3A_30 = arith.constant 40 : i32
      %dma_start3A_31 = arith.constant 0 : i32
      %dma_start3A_32 = tpu.memref_slice %arg2[%add3A, %dma_start3A_30, %dma_start3A_31] : memref<32x80x128xi32, #tpu.memory_space<hbm>> -> memref<1x40x128xi32, #tpu.memory_space<hbm>>
      %dma_start3A_33 = tpu.memref_squeeze %dma_start3A_32 : memref<1x40x128xi32, #tpu.memory_space<hbm>> -> memref<40x128xi32, #tpu.memory_space<hbm>>
      tpu.enqueue_dma source(%dma_start3A_33 : memref<40x128xi32, #tpu.memory_space<hbm>>) target(%arg7 : memref<40x128xi32, #tpu.memory_space<vmem>>) target_semaphore(%run_scoped3A : memref<!tpu.dma_semaphore, #tpu.memory_space<semaphore_mem>>)
      %dma_wait3A = arith.constant 40 : i32
      %dma_wait3A_34 = arith.constant 0 : i32
      %dma_wait3A_35 = tpu.memref_slice %arg2[%add3A, %dma_wait3A, %dma_wait3A_34] : memref<32x80x128xi32, #tpu.memory_space<hbm>> -> memref<1x40x128xi32, #tpu.memory_space<hbm>>
      %dma_wait3A_36 = tpu.memref_squeeze %dma_wait3A_35 : memref<1x40x128xi32, #tpu.memory_space<hbm>> -> memref<40x128xi32, #tpu.memory_space<hbm>>
      %dma_wait3A_37 = arith.constant 40 : i32
      %dma_wait3A_38 = arith.constant 0 : i32
      %dma_wait3A_39 = tpu.memref_slice %arg2[%add3A, %dma_wait3A_37, %dma_wait3A_38] : memref<32x80x128xi32, #tpu.memory_space<hbm>> -> memref<1x40x128xi32, #tpu.memory_space<hbm>>
      %dma_wait3A_40 = tpu.memref_squeeze %dma_wait3A_39 : memref<1x40x128xi32, #tpu.memory_space<hbm>> -> memref<40x128xi32, #tpu.memory_space<hbm>>
      tpu.wait_dma2 semaphore(%run_scoped3A : memref<!tpu.dma_semaphore, #tpu.memory_space<semaphore_mem>>) src(%dma_wait3A_40 : memref<40x128xi32, #tpu.memory_space<hbm>>) dst(%arg7 : memref<40x128xi32, #tpu.memory_space<vmem>>)
      tpu.yield
    }) : () -> ()
    "tpu.region"() ({
      %run_scoped3A = tpu.sem_alloc : memref<!tpu.dma_semaphore, #tpu.memory_space<semaphore_mem>>
      %dma_start3A_26 = arith.constant 40 : i32
      %dma_start3A_27 = arith.constant 0 : i32
      %dma_start3A_28 = tpu.memref_slice %arg3[%add3A, %dma_start3A_26, %dma_start3A_27] : memref<32x80x128xi32, #tpu.memory_space<hbm>> -> memref<1x40x128xi32, #tpu.memory_space<hbm>>
      %dma_start3A_29 = tpu.memref_squeeze %dma_start3A_28 : memref<1x40x128xi32, #tpu.memory_space<hbm>> -> memref<40x128xi32, #tpu.memory_space<hbm>>
      %dma_start3A_30 = arith.constant 40 : i32
      %dma_start3A_31 = arith.constant 0 : i32
      %dma_start3A_32 = tpu.memref_slice %arg3[%add3A, %dma_start3A_30, %dma_start3A_31] : memref<32x80x128xi32, #tpu.memory_space<hbm>> -> memref<1x40x128xi32, #tpu.memory_space<hbm>>
      %dma_start3A_33 = tpu.memref_squeeze %dma_start3A_32 : memref<1x40x128xi32, #tpu.memory_space<hbm>> -> memref<40x128xi32, #tpu.memory_space<hbm>>
      tpu.enqueue_dma source(%dma_start3A_33 : memref<40x128xi32, #tpu.memory_space<hbm>>) target(%arg8 : memref<40x128xi32, #tpu.memory_space<vmem>>) target_semaphore(%run_scoped3A : memref<!tpu.dma_semaphore, #tpu.memory_space<semaphore_mem>>)
      %dma_wait3A = arith.constant 40 : i32
      %dma_wait3A_34 = arith.constant 0 : i32
      %dma_wait3A_35 = tpu.memref_slice %arg3[%add3A, %dma_wait3A, %dma_wait3A_34] : memref<32x80x128xi32, #tpu.memory_space<hbm>> -> memref<1x40x128xi32, #tpu.memory_space<hbm>>
      %dma_wait3A_36 = tpu.memref_squeeze %dma_wait3A_35 : memref<1x40x128xi32, #tpu.memory_space<hbm>> -> memref<40x128xi32, #tpu.memory_space<hbm>>
      %dma_wait3A_37 = arith.constant 40 : i32
      %dma_wait3A_38 = arith.constant 0 : i32
      %dma_wait3A_39 = tpu.memref_slice %arg3[%add3A, %dma_wait3A_37, %dma_wait3A_38] : memref<32x80x128xi32, #tpu.memory_space<hbm>> -> memref<1x40x128xi32, #tpu.memory_space<hbm>>
      %dma_wait3A_40 = tpu.memref_squeeze %dma_wait3A_39 : memref<1x40x128xi32, #tpu.memory_space<hbm>> -> memref<40x128xi32, #tpu.memory_space<hbm>>
      tpu.wait_dma2 semaphore(%run_scoped3A : memref<!tpu.dma_semaphore, #tpu.memory_space<semaphore_mem>>) src(%dma_wait3A_40 : memref<40x128xi32, #tpu.memory_space<hbm>>) dst(%arg8 : memref<40x128xi32, #tpu.memory_space<vmem>>)
      tpu.yield
    }) : () -> ()
    %dma_start3A_13 = arith.constant 0 : i32
    %dma_start3A_14 = arith.constant 0 : i32
    %dma_start3A_15 = tpu.memref_slice %arg7[%dma_start3A_13, %dma_start3A_14] : memref<40x128xi32, #tpu.memory_space<vmem>> -> memref<1x128xi32, #tpu.memory_space<vmem>>
    %dma_start3A_16 = tpu.memref_squeeze %dma_start3A_15 : memref<1x128xi32, #tpu.memory_space<vmem>> -> memref<128xi32, #tpu.memory_space<vmem>>
    %dma_start3A_17 = arith.constant 0 : i32
    %dma_start3A_18 = arith.constant 0 : i32
    %dma_start3A_19 = tpu.memref_slice %arg4[%dma_start3A_17, %dma_start3A_18] : memref<10240x128xf32, #tpu.memory_space<hbm>> -> memref<10240x128xf32, #tpu.memory_space<hbm>>
    tpu.enqueue_indirect_dma source(%dma_start3A_19 : memref<10240x128xf32, #tpu.memory_space<hbm>>) target(%arg9 : memref<128x128xf32, #tpu.memory_space<vmem>>) offsets(%dma_start3A_16 : memref<128xi32, #tpu.memory_space<vmem>>) semaphore(%arg12 : memref<!tpu.dma_semaphore, #tpu.memory_space<semaphore_mem>>)
    %scan3A_20 = arith.constant 0 : i32
    %scan3A_21 = arith.constant 20 : i32
    %scan3A_22 = arith.addi %scan3A_20, %scan3A_21 : i32
    %scan3A_23 = arith.constant 1 : i32
    scf.for %scan3A_26 = %scan3A_20 to %scan3A_22 step %scan3A_23  : i32 {
      %mul3A_27 = arith.constant 2 : i32
      %mul3A_28 = arith.muli %mul3A_27, %scan3A_26 : i32
      %add3A_29 = arith.constant 0 : i32
      %add3A_30 = arith.addi %mul3A_28, %add3A_29 : i32
      %add3A_31 = arith.constant 1 : i32
      %add3A_32 = arith.addi %add3A_30, %add3A_31 : i32
      %lt3A = arith.constant 40 : i32
      %lt3A_33 = arith.cmpi slt, %add3A_32, %lt3A : i32
      %convert_element_type3A = arith.extui %lt3A_33 : i1 to i32
      %cond3A = arith.constant 0 : i32
      %cond3A_34 = arith.cmpi ne, %convert_element_type3A, %cond3A : i32
      scf.if %cond3A_34 {
        %add3A_57 = arith.constant 1 : i32
        %add3A_58 = arith.addi %add3A_30, %add3A_57 : i32
        %dma_start3A_59 = arith.constant 0 : i32
        %dma_start3A_60 = tpu.memref_slice %arg7[%add3A_58, %dma_start3A_59] : memref<40x128xi32, #tpu.memory_space<vmem>> -> memref<1x128xi32, #tpu.memory_space<vmem>>
        %dma_start3A_61 = tpu.memref_squeeze %dma_start3A_60 : memref<1x128xi32, #tpu.memory_space<vmem>> -> memref<128xi32, #tpu.memory_space<vmem>>
        %dma_start3A_62 = arith.constant 0 : i32
        %dma_start3A_63 = arith.constant 0 : i32
        %dma_start3A_64 = tpu.memref_slice %arg4[%dma_start3A_62, %dma_start3A_63] : memref<10240x128xf32, #tpu.memory_space<hbm>> -> memref<10240x128xf32, #tpu.memory_space<hbm>>
        tpu.enqueue_indirect_dma source(%dma_start3A_64 : memref<10240x128xf32, #tpu.memory_space<hbm>>) target(%arg10 : memref<128x128xf32, #tpu.memory_space<vmem>>) offsets(%dma_start3A_61 : memref<128xi32, #tpu.memory_space<vmem>>) semaphore(%arg13 : memref<!tpu.dma_semaphore, #tpu.memory_space<semaphore_mem>>)
      } else {
      }
      %dma_wait3A = arith.constant 0 : i32
      %dma_wait3A_35 = tpu.memref_slice %arg7[%add3A_30, %dma_wait3A] : memref<40x128xi32, #tpu.memory_space<vmem>> -> memref<1x128xi32, #tpu.memory_space<vmem>>
      %dma_wait3A_36 = tpu.memref_squeeze %dma_wait3A_35 : memref<1x128xi32, #tpu.memory_space<vmem>> -> memref<128xi32, #tpu.memory_space<vmem>>
      %dma_wait3A_37 = arith.constant 0 : i32
      %dma_wait3A_38 = arith.constant 0 : i32
      %dma_wait3A_39 = tpu.memref_slice %arg4[%dma_wait3A_37, %dma_wait3A_38] : memref<10240x128xf32, #tpu.memory_space<hbm>> -> memref<10240x128xf32, #tpu.memory_space<hbm>>
      tpu.wait_indirect_dma semaphore(%arg12 : memref<!tpu.dma_semaphore, #tpu.memory_space<semaphore_mem>>) src(%dma_wait3A_39 : memref<10240x128xf32, #tpu.memory_space<hbm>>) dst(%arg9 : memref<128x128xf32, #tpu.memory_space<vmem>>)
      "tpu.region"() ({
        %run_scoped3A = tpu.sem_alloc : memref<!tpu.dma_semaphore, #tpu.memory_space<semaphore_mem>>
        %dma_start3A_57 = arith.constant 0 : i32
        %dma_start3A_58 = tpu.memref_slice %arg8[%add3A_30, %dma_start3A_57] : memref<40x128xi32, #tpu.memory_space<vmem>> -> memref<1x128xi32, #tpu.memory_space<vmem>>
        %dma_start3A_59 = tpu.memref_squeeze %dma_start3A_58 : memref<1x128xi32, #tpu.memory_space<vmem>> -> memref<128xi32, #tpu.memory_space<vmem>>
        %dma_start3A_60 = arith.constant 0 : i32
        %dma_start3A_61 = arith.constant 0 : i32
        %dma_start3A_62 = tpu.memref_slice %arg11[%dma_start3A_60, %dma_start3A_61] : memref<10240x128xf32, #tpu.memory_space<vmem_shared>> -> memref<10240x128xf32, #tpu.memory_space<vmem_shared>>
        tpu.enqueue_indirect_dma source(%arg9 : memref<128x128xf32, #tpu.memory_space<vmem>>) target(%dma_start3A_62 : memref<10240x128xf32, #tpu.memory_space<vmem_shared>>) offsets(%dma_start3A_59 : memref<128xi32, #tpu.memory_space<vmem>>) semaphore(%run_scoped3A : memref<!tpu.dma_semaphore, #tpu.memory_space<semaphore_mem>>) {add = true}
        %dma_wait3A_63 = arith.constant 0 : i32
        %dma_wait3A_64 = tpu.memref_slice %arg8[%add3A_30, %dma_wait3A_63] : memref<40x128xi32, #tpu.memory_space<vmem>> -> memref<1x128xi32, #tpu.memory_space<vmem>>
        %dma_wait3A_65 = tpu.memref_squeeze %dma_wait3A_64 : memref<1x128xi32, #tpu.memory_space<vmem>> -> memref<128xi32, #tpu.memory_space<vmem>>
        %dma_wait3A_66 = arith.constant 0 : i32
        %dma_wait3A_67 = arith.constant 0 : i32
        %dma_wait3A_68 = tpu.memref_slice %arg11[%dma_wait3A_66, %dma_wait3A_67] : memref<10240x128xf32, #tpu.memory_space<vmem_shared>> -> memref<10240x128xf32, #tpu.memory_space<vmem_shared>>
        tpu.wait_indirect_dma semaphore(%run_scoped3A : memref<!tpu.dma_semaphore, #tpu.memory_space<semaphore_mem>>) src(%arg9 : memref<128x128xf32, #tpu.memory_space<vmem>>) dst(%dma_wait3A_68 : memref<10240x128xf32, #tpu.memory_space<vmem_shared>>)
        tpu.yield
      }) : () -> ()
      %mul3A_40 = arith.constant 2 : i32
      %mul3A_41 = arith.muli %mul3A_40, %scan3A_26 : i32
      %add3A_42 = arith.constant 1 : i32
      %add3A_43 = arith.addi %mul3A_41, %add3A_42 : i32
      %add3A_44 = arith.constant 1 : i32
      %add3A_45 = arith.addi %add3A_43, %add3A_44 : i32
      %lt3A_46 = arith.constant 40 : i32
      %lt3A_47 = arith.cmpi slt, %add3A_45, %lt3A_46 : i32
      %convert_element_type3A_48 = arith.extui %lt3A_47 : i1 to i32
      %cond3A_49 = arith.constant 0 : i32
      %cond3A_50 = arith.cmpi ne, %convert_element_type3A_48, %cond3A_49 : i32
      scf.if %cond3A_50 {
        %add3A_57 = arith.constant 1 : i32
        %add3A_58 = arith.addi %add3A_43, %add3A_57 : i32
        %dma_start3A_59 = arith.constant 0 : i32
        %dma_start3A_60 = tpu.memref_slice %arg7[%add3A_58, %dma_start3A_59] : memref<40x128xi32, #tpu.memory_space<vmem>> -> memref<1x128xi32, #tpu.memory_space<vmem>>
        %dma_start3A_61 = tpu.memref_squeeze %dma_start3A_60 : memref<1x128xi32, #tpu.memory_space<vmem>> -> memref<128xi32, #tpu.memory_space<vmem>>
        %dma_start3A_62 = arith.constant 0 : i32
        %dma_start3A_63 = arith.constant 0 : i32
        %dma_start3A_64 = tpu.memref_slice %arg4[%dma_start3A_62, %dma_start3A_63] : memref<10240x128xf32, #tpu.memory_space<hbm>> -> memref<10240x128xf32, #tpu.memory_space<hbm>>
        tpu.enqueue_indirect_dma source(%dma_start3A_64 : memref<10240x128xf32, #tpu.memory_space<hbm>>) target(%arg9 : memref<128x128xf32, #tpu.memory_space<vmem>>) offsets(%dma_start3A_61 : memref<128xi32, #tpu.memory_space<vmem>>) semaphore(%arg12 : memref<!tpu.dma_semaphore, #tpu.memory_space<semaphore_mem>>)
      } else {
      }
      %dma_wait3A_51 = arith.constant 0 : i32
      %dma_wait3A_52 = tpu.memref_slice %arg7[%add3A_43, %dma_wait3A_51] : memref<40x128xi32, #tpu.memory_space<vmem>> -> memref<1x128xi32, #tpu.memory_space<vmem>>
      %dma_wait3A_53 = tpu.memref_squeeze %dma_wait3A_52 : memref<1x128xi32, #tpu.memory_space<vmem>> -> memref<128xi32, #tpu.memory_space<vmem>>
      %dma_wait3A_54 = arith.constant 0 : i32
      %dma_wait3A_55 = arith.constant 0 : i32
      %dma_wait3A_56 = tpu.memref_slice %arg4[%dma_wait3A_54, %dma_wait3A_55] : memref<10240x128xf32, #tpu.memory_space<hbm>> -> memref<10240x128xf32, #tpu.memory_space<hbm>>
      tpu.wait_indirect_dma semaphore(%arg13 : memref<!tpu.dma_semaphore, #tpu.memory_space<semaphore_mem>>) src(%dma_wait3A_56 : memref<10240x128xf32, #tpu.memory_space<hbm>>) dst(%arg10 : memref<128x128xf32, #tpu.memory_space<vmem>>)
      "tpu.region"() ({
        %run_scoped3A = tpu.sem_alloc : memref<!tpu.dma_semaphore, #tpu.memory_space<semaphore_mem>>
        %dma_start3A_57 = arith.constant 0 : i32
        %dma_start3A_58 = tpu.memref_slice %arg8[%add3A_43, %dma_start3A_57] : memref<40x128xi32, #tpu.memory_space<vmem>> -> memref<1x128xi32, #tpu.memory_space<vmem>>
        %dma_start3A_59 = tpu.memref_squeeze %dma_start3A_58 : memref<1x128xi32, #tpu.memory_space<vmem>> -> memref<128xi32, #tpu.memory_space<vmem>>
        %dma_start3A_60 = arith.constant 0 : i32
        %dma_start3A_61 = arith.constant 0 : i32
        %dma_start3A_62 = tpu.memref_slice %arg11[%dma_start3A_60, %dma_start3A_61] : memref<10240x128xf32, #tpu.memory_space<vmem_shared>> -> memref<10240x128xf32, #tpu.memory_space<vmem_shared>>
        tpu.enqueue_indirect_dma source(%arg10 : memref<128x128xf32, #tpu.memory_space<vmem>>) target(%dma_start3A_62 : memref<10240x128xf32, #tpu.memory_space<vmem_shared>>) offsets(%dma_start3A_59 : memref<128xi32, #tpu.memory_space<vmem>>) semaphore(%run_scoped3A : memref<!tpu.dma_semaphore, #tpu.memory_space<semaphore_mem>>) {add = true}
        %dma_wait3A_63 = arith.constant 0 : i32
        %dma_wait3A_64 = tpu.memref_slice %arg8[%add3A_43, %dma_wait3A_63] : memref<40x128xi32, #tpu.memory_space<vmem>> -> memref<1x128xi32, #tpu.memory_space<vmem>>
        %dma_wait3A_65 = tpu.memref_squeeze %dma_wait3A_64 : memref<1x128xi32, #tpu.memory_space<vmem>> -> memref<128xi32, #tpu.memory_space<vmem>>
        %dma_wait3A_66 = arith.constant 0 : i32
        %dma_wait3A_67 = arith.constant 0 : i32
        %dma_wait3A_68 = tpu.memref_slice %arg11[%dma_wait3A_66, %dma_wait3A_67] : memref<10240x128xf32, #tpu.memory_space<vmem_shared>> -> memref<10240x128xf32, #tpu.memory_space<vmem_shared>>
        tpu.wait_indirect_dma semaphore(%run_scoped3A : memref<!tpu.dma_semaphore, #tpu.memory_space<semaphore_mem>>) src(%arg10 : memref<128x128xf32, #tpu.memory_space<vmem>>) dst(%dma_wait3A_68 : memref<10240x128xf32, #tpu.memory_space<vmem_shared>>)
        tpu.yield
      }) : () -> ()
    }
    %scan3A_24 = arith.constant 20 : i32
    %barrier3A_25 = arith.constant 0 : index
    tpu.barrier barrier_id(%barrier3A_25)
    "tpu.region"() ({
      %run_scoped3A = tpu.sem_alloc : memref<!tpu.dma_semaphore, #tpu.memory_space<semaphore_mem>>
      %dma_start3A_26 = arith.constant 0 : i32
      %dma_start3A_27 = tpu.memref_slice %arg6[%arg0, %mul3A_2, %dma_start3A_26] : memref<2x10240x128xf32, #tpu.memory_space<hbm>> -> memref<1x640x128xf32, #tpu.memory_space<hbm>>
      %dma_start3A_28 = tpu.memref_squeeze %dma_start3A_27 : memref<1x640x128xf32, #tpu.memory_space<hbm>> -> memref<640x128xf32, #tpu.memory_space<hbm>>
      %dma_start3A_29 = arith.constant 0 : i32
      %dma_start3A_30 = tpu.memref_slice %arg11[%mul3A_2, %dma_start3A_29] : memref<10240x128xf32, #tpu.memory_space<vmem_shared>> -> memref<640x128xf32, #tpu.memory_space<vmem_shared>>
      tpu.enqueue_dma source(%dma_start3A_30 : memref<640x128xf32, #tpu.memory_space<vmem_shared>>) target(%dma_start3A_28 : memref<640x128xf32, #tpu.memory_space<hbm>>) target_semaphore(%run_scoped3A : memref<!tpu.dma_semaphore, #tpu.memory_space<semaphore_mem>>)
      %dma_wait3A = arith.constant 0 : i32
      %dma_wait3A_31 = tpu.memref_slice %arg6[%arg0, %mul3A_2, %dma_wait3A] : memref<2x10240x128xf32, #tpu.memory_space<hbm>> -> memref<1x640x128xf32, #tpu.memory_space<hbm>>
      %dma_wait3A_32 = tpu.memref_squeeze %dma_wait3A_31 : memref<1x640x128xf32, #tpu.memory_space<hbm>> -> memref<640x128xf32, #tpu.memory_space<hbm>>
      %dma_wait3A_33 = arith.constant 0 : i32
      %dma_wait3A_34 = tpu.memref_slice %arg11[%mul3A_2, %dma_wait3A_33] : memref<10240x128xf32, #tpu.memory_space<vmem_shared>> -> memref<640x128xf32, #tpu.memory_space<vmem_shared>>
      tpu.wait_dma2 semaphore(%run_scoped3A : memref<!tpu.dma_semaphore, #tpu.memory_space<semaphore_mem>>) src(%dma_wait3A_34 : memref<640x128xf32, #tpu.memory_space<vmem_shared>>) dst(%dma_wait3A_32 : memref<640x128xf32, #tpu.memory_space<hbm>>)
      tpu.yield
    }) : () -> ()
    return
  }
}

module attributes {stable_mosaic.version = 14 : i64} {
  func.func @_tc1_body(%arg0: i32, %arg1: memref<2x1024x128xf32, #tpu.memory_space<vmem>>, %arg2: memref<1024x128xf32, #tpu.memory_space<vmem>>, %arg3: memref<128x128xf32, #tpu.memory_space<vmem>>, %arg4: memref<1024x128xf32, #tpu.memory_space<vmem>>) attributes {dimension_semantics = [#tpu.dimension_semantics<arbitrary>], iteration_bounds = array<i64: 10>, scalar_prefetch = 0 : i64, scratch_operands = 0 : i64, tpu.core_type = #tpu.core_type<tc>, window_params = [{transform_indices = @transform_0, window_bounds = array<i64: 2, 1024, 128>}, {transform_indices = @transform_1, window_bounds = array<i64: 1024, 128>}, {pipeline_mode = #tpu.pipeline_mode<synchronous>, transform_indices = @transform_2, window_bounds = array<i64: 128, 128>}, {transform_indices = @transform_3, window_bounds = array<i64: 1024, 128>}]} {
    %get3A = arith.constant 0 : index
    %get3A_0 = arith.constant 0 : index
    %get3A_1 = arith.constant 0 : index
    %get3A_2 = vector.load %arg1[%get3A, %get3A_0, %get3A_1] : memref<2x1024x128xf32, #tpu.memory_space<vmem>>, vector<1x1024x128xf32>
    %get3A_3 = vector.shape_cast %get3A_2 : vector<1x1024x128xf32> to vector<1024x128xf32>
    %get3A_4 = arith.constant 1 : index
    %get3A_5 = arith.constant 0 : index
    %get3A_6 = arith.constant 0 : index
    %get3A_7 = vector.load %arg1[%get3A_4, %get3A_5, %get3A_6] : memref<2x1024x128xf32, #tpu.memory_space<vmem>>, vector<1x1024x128xf32>
    %get3A_8 = vector.shape_cast %get3A_7 : vector<1x1024x128xf32> to vector<1024x128xf32>
    %add3A = arith.addf %get3A_3, %get3A_8 : vector<1024x128xf32>
    %add3A_9 = arith.constant 1.000000e+00 : f32
    %add3A_10 = vector.broadcast %add3A_9 : f32 to vector<1024x128xf32>
    %add3A_11 = arith.addf %add3A, %add3A_10 : vector<1024x128xf32>
    %rsqrt3A = math.rsqrt %add3A_11 : vector<1024x128xf32>
    %get3A_12 = arith.constant 0 : index
    %get3A_13 = arith.constant 0 : index
    %get3A_14 = vector.load %arg2[%get3A_12, %get3A_13] : memref<1024x128xf32, #tpu.memory_space<vmem>>, vector<1024x128xf32>
    %get3A_15 = arith.constant 0 : index
    %get3A_16 = arith.constant 0 : index
    %get3A_17 = vector.load %arg3[%get3A_15, %get3A_16] : memref<128x128xf32, #tpu.memory_space<vmem>>, vector<128x128xf32>
    %dot_general3A = arith.constant dense<0.000000e+00> : vector<1024x128xf32>
    %dot_general3A_18 = tpu.matmul %get3A_14, %get3A_17, %dot_general3A {dimension_numbers = #tpu.dot_dimension_numbers<[1], [0], [0], [1], [0, 0, 1, 1], [], []>, transpose_lhs_hint = false} : vector<1024x128xf32>, vector<128x128xf32>, vector<1024x128xf32> -> vector<1024x128xf32>
    %mul3A = arith.mulf %dot_general3A_18, %rsqrt3A : vector<1024x128xf32>
    %swap3A = arith.constant 0 : index
    %swap3A_19 = arith.constant 0 : index
    %swap3A_20 = vector.load %arg4[%swap3A, %swap3A_19] : memref<1024x128xf32, #tpu.memory_space<vmem>>, vector<1024x128xf32>
    tpu.vector_store %arg4[%swap3A, %swap3A_19], %mul3A {strides = array<i32>} : memref<1024x128xf32, #tpu.memory_space<vmem>>, vector<1024x128xf32>,
    return
  }
  func.func @transform_0(%arg0: i32) -> (i32, i32, i32) {
    %c0_i32 = arith.constant 0 : i32
    %c0_i32_0 = arith.constant 0 : i32
    %c0_i32_1 = arith.constant 0 : i32
    return %c0_i32, %arg0, %c0_i32_0 : i32, i32, i32
  }
  func.func @transform_1(%arg0: i32) -> (i32, i32) {
    %c0_i32 = arith.constant 0 : i32
    %c0_i32_0 = arith.constant 0 : i32
    return %arg0, %c0_i32 : i32, i32
  }
  func.func @transform_2(%arg0: i32) -> (i32, i32) {
    %c0_i32 = arith.constant 0 : i32
    %c0_i32_0 = arith.constant 0 : i32
    %c0_i32_1 = arith.constant 0 : i32
    return %c0_i32, %c0_i32_0 : i32, i32
  }
  func.func @transform_3(%arg0: i32) -> (i32, i32) {
    %c0_i32 = arith.constant 0 : i32
    %c0_i32_0 = arith.constant 0 : i32
    return %arg0, %c0_i32 : i32, i32
  }
}

module attributes {stable_mosaic.version = 14 : i64} {
  func.func @_tc2_body(%arg0: i32, %arg1: memref<2x1024x128xf32, #tpu.memory_space<vmem>>, %arg2: memref<2x1024x128xf32, #tpu.memory_space<vmem>>, %arg3: memref<1024x128xf32, #tpu.memory_space<vmem>>, %arg4: memref<128x128xf32, #tpu.memory_space<vmem>>, %arg5: memref<1x128xf32, #tpu.memory_space<vmem>>, %arg6: memref<1024x128xf32, #tpu.memory_space<vmem>>) attributes {dimension_semantics = [#tpu.dimension_semantics<arbitrary>], iteration_bounds = array<i64: 10>, scalar_prefetch = 0 : i64, scratch_operands = 0 : i64, tpu.core_type = #tpu.core_type<tc>, window_params = [{transform_indices = @transform_0, window_bounds = array<i64: 2, 1024, 128>}, {transform_indices = @transform_1, window_bounds = array<i64: 2, 1024, 128>}, {transform_indices = @transform_2, window_bounds = array<i64: 1024, 128>}, {pipeline_mode = #tpu.pipeline_mode<synchronous>, transform_indices = @transform_3, window_bounds = array<i64: 128, 128>}, {pipeline_mode = #tpu.pipeline_mode<synchronous>, transform_indices = @transform_4, window_bounds = array<i64: 1, 128>}, {transform_indices = @transform_5, window_bounds = array<i64: 1024, 128>}]} {
    %get3A = arith.constant 0 : index
    %get3A_0 = arith.constant 0 : index
    %get3A_1 = arith.constant 0 : index
    %get3A_2 = vector.load %arg1[%get3A, %get3A_0, %get3A_1] : memref<2x1024x128xf32, #tpu.memory_space<vmem>>, vector<1x1024x128xf32>
    %get3A_3 = vector.shape_cast %get3A_2 : vector<1x1024x128xf32> to vector<1024x128xf32>
    %get3A_4 = arith.constant 1 : index
    %get3A_5 = arith.constant 0 : index
    %get3A_6 = arith.constant 0 : index
    %get3A_7 = vector.load %arg1[%get3A_4, %get3A_5, %get3A_6] : memref<2x1024x128xf32, #tpu.memory_space<vmem>>, vector<1x1024x128xf32>
    %get3A_8 = vector.shape_cast %get3A_7 : vector<1x1024x128xf32> to vector<1024x128xf32>
    %add3A = arith.addf %get3A_3, %get3A_8 : vector<1024x128xf32>
    %add3A_9 = arith.constant 1.000000e+00 : f32
    %add3A_10 = vector.broadcast %add3A_9 : f32 to vector<1024x128xf32>
    %add3A_11 = arith.addf %add3A, %add3A_10 : vector<1024x128xf32>
    %rsqrt3A = math.rsqrt %add3A_11 : vector<1024x128xf32>
    %get3A_12 = arith.constant 0 : index
    %get3A_13 = arith.constant 0 : index
    %get3A_14 = arith.constant 0 : index
    %get3A_15 = vector.load %arg2[%get3A_12, %get3A_13, %get3A_14] : memref<2x1024x128xf32, #tpu.memory_space<vmem>>, vector<1x1024x128xf32>
    %get3A_16 = vector.shape_cast %get3A_15 : vector<1x1024x128xf32> to vector<1024x128xf32>
    %get3A_17 = arith.constant 1 : index
    %get3A_18 = arith.constant 0 : index
    %get3A_19 = arith.constant 0 : index
    %get3A_20 = vector.load %arg2[%get3A_17, %get3A_18, %get3A_19] : memref<2x1024x128xf32, #tpu.memory_space<vmem>>, vector<1x1024x128xf32>
    %get3A_21 = vector.shape_cast %get3A_20 : vector<1x1024x128xf32> to vector<1024x128xf32>
    %add3A_22 = arith.addf %get3A_16, %get3A_21 : vector<1024x128xf32>
    %get3A_23 = arith.constant 0 : index
    %get3A_24 = arith.constant 0 : index
    %get3A_25 = vector.load %arg3[%get3A_23, %get3A_24] : memref<1024x128xf32, #tpu.memory_space<vmem>>, vector<1024x128xf32>
    %add3A_26 = arith.addf %add3A_22, %get3A_25 : vector<1024x128xf32>
    %mul3A = arith.mulf %rsqrt3A, %add3A_26 : vector<1024x128xf32>
    %get3A_27 = arith.constant 0 : index
    %get3A_28 = arith.constant 0 : index
    %get3A_29 = vector.load %arg5[%get3A_27, %get3A_28] : memref<1x128xf32, #tpu.memory_space<vmem>>, vector<1x128xf32>
    %add3A_30 = vector.broadcast %get3A_29 : vector<1x128xf32> to vector<1024x128xf32>
    %add3A_31 = arith.addf %mul3A, %add3A_30 : vector<1024x128xf32>
    %max3A = arith.constant 0.000000e+00 : f32
    %max3A_32 = vector.broadcast %max3A : f32 to vector<1024x128xf32>
    %max3A_33 = arith.maximumf %add3A_31, %max3A_32 : vector<1024x128xf32>
    %get3A_34 = arith.constant 0 : index
    %get3A_35 = arith.constant 0 : index
    %get3A_36 = vector.load %arg4[%get3A_34, %get3A_35] : memref<128x128xf32, #tpu.memory_space<vmem>>, vector<128x128xf32>
    %dot_general3A = arith.constant dense<0.000000e+00> : vector<1024x128xf32>
    %dot_general3A_37 = tpu.matmul %max3A_33, %get3A_36, %dot_general3A {dimension_numbers = #tpu.dot_dimension_numbers<[1], [0], [0], [1], [0, 0, 1, 1], [], []>, transpose_lhs_hint = false} : vector<1024x128xf32>, vector<128x128xf32>, vector<1024x128xf32> -> vector<1024x128xf32>
    %mul3A_38 = arith.mulf %dot_general3A_37, %rsqrt3A : vector<1024x128xf32>
    %swap3A = arith.constant 0 : index
    %swap3A_39 = arith.constant 0 : index
    %swap3A_40 = vector.load %arg6[%swap3A, %swap3A_39] : memref<1024x128xf32, #tpu.memory_space<vmem>>, vector<1024x128xf32>
    tpu.vector_store %arg6[%swap3A, %swap3A_39], %mul3A_38 {strides = array<i32>} : memref<1024x128xf32, #tpu.memory_space<vmem>>, vector<1024x128xf32>,
    return
  }
  func.func @transform_0(%arg0: i32) -> (i32, i32, i32) {
    %c0_i32 = arith.constant 0 : i32
    %c0_i32_0 = arith.constant 0 : i32
    %c0_i32_1 = arith.constant 0 : i32
    return %c0_i32, %arg0, %c0_i32_0 : i32, i32, i32
  }
  func.func @transform_1(%arg0: i32) -> (i32, i32, i32) {
    %c0_i32 = arith.constant 0 : i32
    %c0_i32_0 = arith.constant 0 : i32
    %c0_i32_1 = arith.constant 0 : i32
    return %c0_i32, %arg0, %c0_i32_0 : i32, i32, i32
  }
  func.func @transform_2(%arg0: i32) -> (i32, i32) {
    %c0_i32 = arith.constant 0 : i32
    %c0_i32_0 = arith.constant 0 : i32
    return %arg0, %c0_i32 : i32, i32
  }
  func.func @transform_3(%arg0: i32) -> (i32, i32) {
    %c0_i32 = arith.constant 0 : i32
    %c0_i32_0 = arith.constant 0 : i32
    %c0_i32_1 = arith.constant 0 : i32
    return %c0_i32, %c0_i32_0 : i32, i32
  }
  func.func @transform_4(%arg0: i32) -> (i32, i32) {
    %c0_i32 = arith.constant 0 : i32
    %c0_i32_0 = arith.constant 0 : i32
    %c0_i32_1 = arith.constant 0 : i32
    return %c0_i32, %c0_i32_0 : i32, i32
  }
  func.func @transform_5(%arg0: i32) -> (i32, i32) {
    %c0_i32 = arith.constant 0 : i32
    %c0_i32_0 = arith.constant 0 : i32
    return %arg0, %c0_i32 : i32, i32
  }
}

module attributes {stable_mosaic.version = 14 : i64} {
  func.func @_tc3_body(%arg0: i32, %arg1: memref<2x1000x128xf32, #tpu.memory_space<vmem>>, %arg2: memref<2x1000x128xf32, #tpu.memory_space<vmem>>, %arg3: memref<1000x128xf32, #tpu.memory_space<vmem>>, %arg4: memref<1x128xf32, #tpu.memory_space<vmem>>, %arg5: memref<1x1x1000xi32, #tpu.memory_space<vmem>>, %arg6: memref<128x10xf32, #tpu.memory_space<vmem>>, %arg7: memref<1x10xf32, #tpu.memory_space<vmem>>, %arg8: memref<64x10xf32, #tpu.memory_space<vmem>>, %arg9: memref<64x128xf32, #tpu.memory_space<vmem>>, %arg10: memref<64x128xf32, #tpu.memory_space<vmem>>) attributes {dimension_semantics = [#tpu.dimension_semantics<arbitrary>], iteration_bounds = array<i64: 10>, scalar_prefetch = 0 : i64, scratch_operands = 2 : i64, tpu.core_type = #tpu.core_type<tc>, window_params = [{transform_indices = @transform_0, window_bounds = array<i64: 2, 1000, 128>}, {transform_indices = @transform_1, window_bounds = array<i64: 2, 1000, 128>}, {transform_indices = @transform_2, window_bounds = array<i64: 1000, 128>}, {pipeline_mode = #tpu.pipeline_mode<synchronous>, transform_indices = @transform_3, window_bounds = array<i64: 1, 128>}, {transform_indices = @transform_4, window_bounds = array<i64: 1, 1, 1000>}, {pipeline_mode = #tpu.pipeline_mode<synchronous>, transform_indices = @transform_5, window_bounds = array<i64: 128, 10>}, {pipeline_mode = #tpu.pipeline_mode<synchronous>, transform_indices = @transform_6, window_bounds = array<i64: 1, 10>}, {pipeline_mode = #tpu.pipeline_mode<synchronous>, transform_indices = @transform_7, window_bounds = array<i64: 64, 10>}]} {
    %eq3A = arith.constant 0 : i32
    %eq3A_0 = arith.cmpi eq, %arg0, %eq3A : i32
    %convert_element_type3A = arith.extui %eq3A_0 : i1 to i32
    %cond3A = arith.constant 0 : i32
    %cond3A_1 = arith.cmpi ne, %convert_element_type3A, %cond3A : i32
    scf.if %cond3A_1 {
      %broadcast_in_dim3A_68 = arith.constant 0.000000e+00 : f32
      %broadcast_in_dim3A_69 = vector.broadcast %broadcast_in_dim3A_68 : f32 to vector<64x128xf32>
      %swap3A_70 = arith.constant 0 : index
      %swap3A_71 = arith.constant 0 : index
      %swap3A_72 = vector.load %arg9[%swap3A_70, %swap3A_71] : memref<64x128xf32, #tpu.memory_space<vmem>>, vector<64x128xf32>
      tpu.vector_store %arg9[%swap3A_70, %swap3A_71], %broadcast_in_dim3A_69 {strides = array<i32>} : memref<64x128xf32, #tpu.memory_space<vmem>>, vector<64x128xf32>,
      %broadcast_in_dim3A_73 = arith.constant 0.000000e+00 : f32
      %broadcast_in_dim3A_74 = vector.broadcast %broadcast_in_dim3A_73 : f32 to vector<64x128xf32>
      %swap3A_75 = arith.constant 0 : index
      %swap3A_76 = arith.constant 0 : index
      %swap3A_77 = vector.load %arg10[%swap3A_75, %swap3A_76] : memref<64x128xf32, #tpu.memory_space<vmem>>, vector<64x128xf32>
      tpu.vector_store %arg10[%swap3A_75, %swap3A_76], %broadcast_in_dim3A_74 {strides = array<i32>} : memref<64x128xf32, #tpu.memory_space<vmem>>, vector<64x128xf32>,
    } else {
    }
    %get3A = arith.constant 0 : index
    %get3A_2 = arith.constant 0 : index
    %get3A_3 = arith.constant 0 : index
    %get3A_4 = vector.load %arg1[%get3A, %get3A_2, %get3A_3] : memref<2x1000x128xf32, #tpu.memory_space<vmem>>, vector<1x1000x128xf32>
    %get3A_5 = vector.shape_cast %get3A_4 : vector<1x1000x128xf32> to vector<1000x128xf32>
    %get3A_6 = arith.constant 1 : index
    %get3A_7 = arith.constant 0 : index
    %get3A_8 = arith.constant 0 : index
    %get3A_9 = vector.load %arg1[%get3A_6, %get3A_7, %get3A_8] : memref<2x1000x128xf32, #tpu.memory_space<vmem>>, vector<1x1000x128xf32>
    %get3A_10 = vector.shape_cast %get3A_9 : vector<1x1000x128xf32> to vector<1000x128xf32>
    %add3A = arith.addf %get3A_5, %get3A_10 : vector<1000x128xf32>
    %add3A_11 = arith.constant 1.000000e+00 : f32
    %add3A_12 = vector.broadcast %add3A_11 : f32 to vector<1000x128xf32>
    %add3A_13 = arith.addf %add3A, %add3A_12 : vector<1000x128xf32>
    %rsqrt3A = math.rsqrt %add3A_13 : vector<1000x128xf32>
    %get3A_14 = arith.constant 0 : index
    %get3A_15 = arith.constant 0 : index
    %get3A_16 = arith.constant 0 : index
    %get3A_17 = vector.load %arg2[%get3A_14, %get3A_15, %get3A_16] : memref<2x1000x128xf32, #tpu.memory_space<vmem>>, vector<1x1000x128xf32>
    %get3A_18 = vector.shape_cast %get3A_17 : vector<1x1000x128xf32> to vector<1000x128xf32>
    %get3A_19 = arith.constant 1 : index
    %get3A_20 = arith.constant 0 : index
    %get3A_21 = arith.constant 0 : index
    %get3A_22 = vector.load %arg2[%get3A_19, %get3A_20, %get3A_21] : memref<2x1000x128xf32, #tpu.memory_space<vmem>>, vector<1x1000x128xf32>
    %get3A_23 = vector.shape_cast %get3A_22 : vector<1x1000x128xf32> to vector<1000x128xf32>
    %add3A_24 = arith.addf %get3A_18, %get3A_23 : vector<1000x128xf32>
    %get3A_25 = arith.constant 0 : index
    %get3A_26 = arith.constant 0 : index
    %get3A_27 = vector.load %arg3[%get3A_25, %get3A_26] : memref<1000x128xf32, #tpu.memory_space<vmem>>, vector<1000x128xf32>
    %add3A_28 = arith.addf %add3A_24, %get3A_27 : vector<1000x128xf32>
    %mul3A = arith.mulf %rsqrt3A, %add3A_28 : vector<1000x128xf32>
    %get3A_29 = arith.constant 0 : index
    %get3A_30 = arith.constant 0 : index
    %get3A_31 = vector.load %arg4[%get3A_29, %get3A_30] : memref<1x128xf32, #tpu.memory_space<vmem>>, vector<1x128xf32>
    %add3A_32 = vector.broadcast %get3A_31 : vector<1x128xf32> to vector<1000x128xf32>
    %add3A_33 = arith.addf %mul3A, %add3A_32 : vector<1000x128xf32>
    %max3A = arith.constant 0.000000e+00 : f32
    %max3A_34 = vector.broadcast %max3A : f32 to vector<1000x128xf32>
    %max3A_35 = arith.maximumf %add3A_33, %max3A_34 : vector<1000x128xf32>
    %get3A_36 = arith.constant 0 : index
    %get3A_37 = arith.constant 0 : index
    %get3A_38 = arith.constant 0 : index
    %get3A_39 = vector.load %arg5[%get3A_36, %get3A_37, %get3A_38] : memref<1x1x1000xi32, #tpu.memory_space<vmem>>, vector<1x1x1000xi32>
    %get3A_40 = vector.shape_cast %get3A_39 : vector<1x1x1000xi32> to vector<1000xi32>
    %iota3A = tpu.iota {dimensions = array<i32: 0>} : vector<64x1000xi32>
    %broadcast_in_dim3A = vector.shape_cast %get3A_40 : vector<1000xi32> to vector<1x1000xi32>
    %eq3A_41 = vector.broadcast %broadcast_in_dim3A : vector<1x1000xi32> to vector<64x1000xi32>
    %eq3A_42 = arith.cmpi eq, %eq3A_41, %iota3A : vector<64x1000xi32>
    %convert_element_type3A_43 = arith.extui %eq3A_42 : vector<64x1000xi1> to vector<64x1000xi32>
    %convert_element_type3A_44 = arith.sitofp %convert_element_type3A_43 : vector<64x1000xi32> to vector<64x1000xf32>
    %get3A_45 = arith.constant 0 : index
    %get3A_46 = arith.constant 0 : index
    %get3A_47 = vector.load %arg9[%get3A_45, %get3A_46] : memref<64x128xf32, #tpu.memory_space<vmem>>, vector<64x128xf32>
    %dot_general3A = arith.constant dense<0.000000e+00> : vector<64x128xf32>
    %dot_general3A_48 = tpu.matmul %convert_element_type3A_44, %max3A_35, %dot_general3A {dimension_numbers = #tpu.dot_dimension_numbers<[1], [0], [0], [1], [0, 0, 1, 1], [], []>, transpose_lhs_hint = false} : vector<64x1000xf32>, vector<1000x128xf32>, vector<64x128xf32> -> vector<64x128xf32>
    %add3A_49 = arith.addf %get3A_47, %dot_general3A_48 : vector<64x128xf32>
    %swap3A = arith.constant 0 : index
    %swap3A_50 = arith.constant 0 : index
    %swap3A_51 = vector.load %arg9[%swap3A, %swap3A_50] : memref<64x128xf32, #tpu.memory_space<vmem>>, vector<64x128xf32>
    tpu.vector_store %arg9[%swap3A, %swap3A_50], %add3A_49 {strides = array<i32>} : memref<64x128xf32, #tpu.memory_space<vmem>>, vector<64x128xf32>,
    %get3A_52 = arith.constant 0 : index
    %get3A_53 = arith.constant 0 : index
    %get3A_54 = vector.load %arg10[%get3A_52, %get3A_53] : memref<64x128xf32, #tpu.memory_space<vmem>>, vector<64x128xf32>
    %reduce_sum3A = arith.constant dense<0.000000e+00> : vector<64xf32>
    %reduce_sum3A_55 = vector.multi_reduction <add>, %convert_element_type3A_44, %reduce_sum3A [1] : vector<64x1000xf32> to vector<64xf32>
    %broadcast_in_dim3A_56 = vector.shape_cast %reduce_sum3A_55 : vector<64xf32> to vector<64x1xf32>
    %broadcast_in_dim3A_57 = vector.shape_cast %broadcast_in_dim3A_56 : vector<64x1xf32> to vector<64x1xf32>
    %broadcast_in_dim3A_58 = vector.broadcast %broadcast_in_dim3A_57 : vector<64x1xf32> to vector<64x128xf32>
    %add3A_59 = arith.addf %get3A_54, %broadcast_in_dim3A_58 : vector<64x128xf32>
    %swap3A_60 = arith.constant 0 : index
    %swap3A_61 = arith.constant 0 : index
    %swap3A_62 = vector.load %arg10[%swap3A_60, %swap3A_61] : memref<64x128xf32, #tpu.memory_space<vmem>>, vector<64x128xf32>
    tpu.vector_store %arg10[%swap3A_60, %swap3A_61], %add3A_59 {strides = array<i32>} : memref<64x128xf32, #tpu.memory_space<vmem>>, vector<64x128xf32>,
    %eq3A_63 = arith.constant 9 : i32
    %eq3A_64 = arith.cmpi eq, %arg0, %eq3A_63 : i32
    %convert_element_type3A_65 = arith.extui %eq3A_64 : i1 to i32
    %cond3A_66 = arith.constant 0 : i32
    %cond3A_67 = arith.cmpi ne, %convert_element_type3A_65, %cond3A_66 : i32
    scf.if %cond3A_67 {
      %get3A_68 = arith.constant 0 : index
      %get3A_69 = arith.constant 0 : index
      %get3A_70 = vector.load %arg9[%get3A_68, %get3A_69] : memref<64x128xf32, #tpu.memory_space<vmem>>, vector<64x128xf32>
      %get3A_71 = arith.constant 0 : index
      %get3A_72 = arith.constant 0 : index
      %get3A_73 = vector.load %arg10[%get3A_71, %get3A_72] : memref<64x128xf32, #tpu.memory_space<vmem>>, vector<64x128xf32>
      %max3A_74 = arith.constant 1.000000e+00 : f32
      %max3A_75 = vector.broadcast %max3A_74 : f32 to vector<64x128xf32>
      %max3A_76 = arith.maximumf %get3A_73, %max3A_75 : vector<64x128xf32>
      %div3A = arith.divf %get3A_70, %max3A_76 : vector<64x128xf32>
      %get3A_77 = arith.constant 0 : index
      %get3A_78 = arith.constant 0 : index
      %get3A_79 = vector.load %arg6[%get3A_77, %get3A_78] : memref<128x10xf32, #tpu.memory_space<vmem>>, vector<128x10xf32>
      %dot_general3A_80 = arith.constant dense<0.000000e+00> : vector<64x10xf32>
      %dot_general3A_81 = tpu.matmul %div3A, %get3A_79, %dot_general3A_80 {dimension_numbers = #tpu.dot_dimension_numbers<[1], [0], [0], [1], [0, 0, 1, 1], [], []>, transpose_lhs_hint = false} : vector<64x128xf32>, vector<128x10xf32>, vector<64x10xf32> -> vector<64x10xf32>
      %get3A_82 = arith.constant 0 : index
      %get3A_83 = arith.constant 0 : index
      %get3A_84 = vector.load %arg7[%get3A_82, %get3A_83] : memref<1x10xf32, #tpu.memory_space<vmem>>, vector<1x10xf32>
      %add3A_85 = vector.broadcast %get3A_84 : vector<1x10xf32> to vector<64x10xf32>
      %add3A_86 = arith.addf %dot_general3A_81, %add3A_85 : vector<64x10xf32>
      %swap3A_87 = arith.constant 0 : index
      %swap3A_88 = arith.constant 0 : index
      %swap3A_89 = vector.load %arg8[%swap3A_87, %swap3A_88] : memref<64x10xf32, #tpu.memory_space<vmem>>, vector<64x10xf32>
      tpu.vector_store %arg8[%swap3A_87, %swap3A_88], %add3A_86 {strides = array<i32>} : memref<64x10xf32, #tpu.memory_space<vmem>>, vector<64x10xf32>,
    } else {
    }
    return
  }
  func.func @transform_0(%arg0: i32) -> (i32, i32, i32) {
    %c0_i32 = arith.constant 0 : i32
    %c0_i32_0 = arith.constant 0 : i32
    %c0_i32_1 = arith.constant 0 : i32
    return %c0_i32, %arg0, %c0_i32_0 : i32, i32, i32
  }
  func.func @transform_1(%arg0: i32) -> (i32, i32, i32) {
    %c0_i32 = arith.constant 0 : i32
    %c0_i32_0 = arith.constant 0 : i32
    %c0_i32_1 = arith.constant 0 : i32
    return %c0_i32, %arg0, %c0_i32_0 : i32, i32, i32
  }
  func.func @transform_2(%arg0: i32) -> (i32, i32) {
    %c0_i32 = arith.constant 0 : i32
    %c0_i32_0 = arith.constant 0 : i32
    return %arg0, %c0_i32 : i32, i32
  }
  func.func @transform_3(%arg0: i32) -> (i32, i32) {
    %c0_i32 = arith.constant 0 : i32
    %c0_i32_0 = arith.constant 0 : i32
    %c0_i32_1 = arith.constant 0 : i32
    return %c0_i32, %c0_i32_0 : i32, i32
  }
  func.func @transform_4(%arg0: i32) -> (i32, i32, i32) {
    %c0_i32 = arith.constant 0 : i32
    %c0_i32_0 = arith.constant 0 : i32
    %c0_i32_1 = arith.constant 0 : i32
    return %arg0, %c0_i32, %c0_i32_0 : i32, i32, i32
  }
  func.func @transform_5(%arg0: i32) -> (i32, i32) {
    %c0_i32 = arith.constant 0 : i32
    %c0_i32_0 = arith.constant 0 : i32
    %c0_i32_1 = arith.constant 0 : i32
    return %c0_i32, %c0_i32_0 : i32, i32
  }
  func.func @transform_6(%arg0: i32) -> (i32, i32) {
    %c0_i32 = arith.constant 0 : i32
    %c0_i32_0 = arith.constant 0 : i32
    %c0_i32_1 = arith.constant 0 : i32
    return %c0_i32, %c0_i32_0 : i32, i32
  }
  func.func @transform_7(%arg0: i32) -> (i32, i32) {
    %c0_i32 = arith.constant 0 : i32
    %c0_i32_0 = arith.constant 0 : i32
    %c0_i32_1 = arith.constant 0 : i32
    return %c0_i32, %c0_i32_0 : i32, i32
  }
}

</mosaic_0001>

<sc_bundles>
// kernel: kernel.11.cloned.1.call-start
scs
__scs_entry_jumppad:
0x0: {  	(pc) =	sbr.rel $0x88, $3  }
0x1: {  	(tag) =	ssettag $0x0;
	lr =	simm.s32 $0x1  }
0x2: {  	[smem:$0x3F98] =	sst lr;
	_ =	strace $0xD0000000  }
0x3: {  	_ = 	snop  }
0x4: {  	_ = 	snop  }
0x5: {  	_ = 	snop  }
0x6: {  	_ = 	snop  }
0x7: {  	_ = 	snop  }
__scs_overlays_trampoline_lowered:
0x8: {  	[smem:$0x3FA7] =	sst s0  }
0x9: {  	[smem:$0x3FA8] =	sst s1  }
0xa: {  	[smem:$0x3FA9] =	sst s2  }
0xb: {  	[smem:$0x3FAA] =	sst s3  }
0xc: {  	[smem:$0x3FAB] =	sst s4  }
0xd: {  	[smem:$0x3FAC] =	sst s5  }
0xe: {  	[smem:$0x3FAD] =	sst s6  }
0xf: {  	[smem:$0x3FAE] =	sst s7  }
0x10: {  	[smem:$0x3FAF] =	sst s8  }
0x11: {  	[smem:$0x3FB0] =	sst s9;
	s0 =	simm.s32 @!p0 $0x0  }
0x12: {  	s1 =	sld [smem:$0x3F96];
	s0 =	simm.s32 @p0 $0x1  }
0x13: {  	[smem:$0x3FB1] =	sst s0;
	s0 =	simm.s32 @!p1 $0x0  }
0x14: {  	s2 =	sld [smem:$0x3F95];
	s0 =	simm.s32 @p1 $0x1  }
0x15: {  	[smem:$0x3FB2] =	sst s0;
	s0 =	simm.s32 @!p2 $0x0  }
0x16: {  	s3 =	sld [smem:$0x3FDB];
	s0 =	simm.s32 @p2 $0x1  }
0x17: {  	s4 =	simm.s32 $0x1BF5;
	[smem:$0x3FB4] =	sst s0  }
0x18: {  	s0 =	sld [smem:$0x3F97];
	_ =	swait.ge [sflag:s4], $0x0  }
0x19: {  	s7 =	sld [smem:$0x3F98]  }
0x1a: {  	s8 =	sadd.s32 $0xFFFFE003, lr  }
0x1b: {  	s9 =	sadd.s32 $0xFFFFFEF7, lr;
	s5 =	simm.s32 $0xFFFFFFFF;
	p2 =	slt.u32 s8, $0xFFFFF086  }
0x1c: {  	p1 =	slt.u32 s9, $0xF7A;
	s5 =	simm.s32 @!p2 $0x0  }
0x1d: {  	s5 =	simm.s32 @p1 $0x1;
	p0 =	seq.s32 s7, s2  }
0x1e: {  	s7 =	smul.u32 @!p0 $0xF7A, s2;
	p2 =	seq.s32 @!p0 s5, $0x0  }
0x1f: {  	s9 =	smul.u32 $0xF7A, s1;
	s8 =	simm.s32 @!p0 $0x1BF5;
	p2 =	por !p2, p0  }
0x20: {  	[sflag:s8] =	ssyncset.s32 @!p0 $0xFFFFF086;
	s6 =	sadd.s32 @!p0 s3, s7;
	s7 =	simm.s32 @!p0 $0x108  }
0x21: {  	s3 =	sadd.s32 s3, s9;
	s6 =	sadd.s32 @!p0 $0x88, s6;
	s7 =	simm.s32 @p2 $0x1082  }
0x22: {  	[simem:s7], [sflag:s8] =	dma.local @!p0 [hbm:s6], $0xF7A  }
0x23: {  	s9 =	sor.u32 $0xD0000000, s2;
	s6 =	simm.s32 $0x108;
	_ =	swait.ge @!p0 [sflag:s8], $0x0  }
0x24: {  	s3 =	sadd.s32 $0x88, s3;
	s6 =	simm.s32 @!p1 $0x1082;
	[sflag:s4] =	ssyncset.s32 $0xFFFFF086  }
0x25: {  	[simem:s6], [sflag:s4] =	dma.local [hbm:s3], $0xF7A  }
0x26: {  	[smem:$0x3F98] =	sst s1;
	(tag) =	ssettag s2;
	_ =	strace s9  }
0x27: {  	s1 =	sld [smem:$0x3FA8]  }
0x28: {  	s2 =	sld [smem:$0x3FA9]  }
0x29: {  	s4 =	sld [smem:$0x3FAB]  }
0x2a: {  	p0 =	seq.s32 s5, $0x0;
	s5 =	sld [smem:$0x3FAC]  }
0x2b: {  	s6 =	sld [smem:$0x3FAD]  }
0x2c: {  	s7 =	sld [smem:$0x3FAE]  }
0x2d: {  	s3 =	simm.s32 $0x108;
	s8 =	sld [smem:$0x3FAF]  }
0x2e: {  	s3 =	simm.s32 @!p0 $0x1082;
	s9 =	sld [smem:$0x3FB0]  }
0x2f: {  	lr =	sadd.s32 s0, s3;
	s0 =	sld [smem:$0x3FA7]  }
0x30: {  	s3 =	sld [smem:$0x3FAA]  }
0x31: {  	[smem:$0x3FB3] =	sst s10  }
0x32: {  	s10 =	sld [smem:$0x3FB1];
	_ =	sdelay $0x3  }
0x33: {  	p0 =	seq.s32 s10, $0x1;
	s10 =	sld [smem:$0x3FB3];
	_ =	sdelay $0x3  }
0x34: {  	[smem:$0x3FB3] =	sst s10  }
0x35: {  	s10 =	sld [smem:$0x3FB2];
	_ =	sdelay $0x3  }
0x36: {  	p1 =	seq.s32 s10, $0x1;
	s10 =	sld [smem:$0x3FB3];
	_ =	sdelay $0x3  }
0x37: {  	[smem:$0x3FB3] =	sst s10  }
0x38: {  	s10 =	sld [smem:$0x3FB4]  }
0x39: {  	_ = 	snop;
	(pc) =	sbr.ind lr, $3  }
0x3a: {  	_ = 	snop  }
0x3b: {  	_ = 	snop  }
0x3c: {  	p2 =	seq.s32 s10, $0x1;
	s10 =	sld [smem:$0x3FB3]  }
0x3d: {  	_ =	shalt  }
0x3e: {  	_ =	shalt  }
0x3f: {  	_ =	shalt  }
0x40: {  	_ =	shalt  }
0x41: {  	_ =	shalt  }
0x42: {  	_ =	shalt  }
0x43: {  	_ =	shalt  }
0x44: {  	_ =	shalt  }
0x45: {  	_ =	shalt  }
0x46: {  	_ =	shalt  }
0x47: {  	_ =	shalt  }
0x48: {  	_ =	shalt  }
0x49: {  	_ =	shalt  }
0x4a: {  	_ =	shalt  }
0x4b: {  	_ =	shalt  }
0x4c: {  	_ =	shalt  }
0x4d: {  	_ =	shalt  }
0x4e: {  	_ =	shalt  }
0x4f: {  	_ =	shalt  }
0x50: {  	_ =	shalt  }
0x51: {  	_ =	shalt  }
0x52: {  	_ =	shalt  }
0x53: {  	_ =	shalt  }
0x54: {  	_ =	shalt  }
0x55: {  	_ =	shalt  }
0x56: {  	_ =	shalt  }
0x57: {  	_ =	shalt  }
0x58: {  	_ =	shalt  }
0x59: {  	_ =	shalt  }
0x5a: {  	_ =	shalt  }
0x5b: {  	_ =	shalt  }
0x5c: {  	_ =	shalt  }
0x5d: {  	_ =	shalt  }
0x5e: {  	_ =	shalt  }
0x5f: {  	_ =	shalt  }
0x60: {  	_ =	shalt  }
0x61: {  	_ =	shalt  }
0x62: {  	_ =	shalt  }
0x63: {  	_ =	shalt  }
0x64: {  	_ =	shalt  }
0x65: {  	_ =	shalt  }
0x66: {  	_ =	shalt  }
0x67: {  	_ =	shalt  }
0x68: {  	_ =	shalt  }
0x69: {  	_ =	shalt  }
0x6a: {  	_ =	shalt  }
0x6b: {  	_ =	shalt  }
0x6c: {  	_ =	shalt  }
0x6d: {  	_ =	shalt  }
0x6e: {  	_ =	shalt  }
0x6f: {  	_ =	shalt  }
0x70: {  	_ =	shalt  }
0x71: {  	_ =	shalt  }
0x72: {  	_ =	shalt  }
0x73: {  	_ =	shalt  }
0x74: {  	_ =	shalt  }
0x75: {  	_ =	shalt  }
0x76: {  	_ =	shalt  }
0x77: {  	_ =	shalt  }
0x78: {  	_ =	shalt  }
0x79: {  	_ =	shalt  }
0x7a: {  	_ =	shalt  }
0x7b: {  	_ =	shalt  }
0x7c: {  	_ =	shalt  }
0x7d: {  	_ =	shalt  }
0x7e: {  	_ =	shalt  }
0x7f: {  	_ =	shalt  }
0x80: {  	_ =	shalt  }
0x81: {  	_ =	shalt  }
0x82: {  	_ =	shalt  }
0x83: {  	_ =	shalt  }
0x84: {  	_ =	shalt  }
0x85: {  	_ =	shalt  }
0x86: {  	_ =	shalt  }
0x87: {  	_ =	shalt  }
.Lfunc_end0:
.L_simem_size_0:
called_computation.1_lowered:
.L_overlay_start_0:
0x88: {  	s2 =	sld [smem:$0x3FD9]  }
0x89: {  	s3 =	sld [smem:$0x3FFE];
	_ =	sdelay $0x1  }
0x8a: {  	s1 =	srdreg.scid  }
0x8b: {  	s0 =	sand.u32 $0x1, s1  }
0x8c: {  	s16 =	sshll.u32 s0, $0xA;
	s2 =	sadd.s32 s3, s2  }
0x8d: {  	s2 =	sadd.s32 s2, s16  }
0x8e: {  	[smem:$0x3FBF] =	sst s2  }
0x8f: {  	_ = 	snop  }
0x90: {  	(tm) =	ssettm $0x1  }
0x91: {  	s17 =	sld [smem:$0x3FFB];
	_ =	sdelay $0x3  }
0x92: {  	_ =	strace s17  }
0x93: {  	s2 =	sld [smem:$0x3FFC];
	_ =	sdelay $0x3  }
0x94: {  	_ =	strace s2  }
0x95: {  	s2 =	sld [smem:$0x3FFD];
	_ =	sdelay $0x3  }
0x96: {  	_ =	strace s2  }
0x97: {  	_ =	strace $0x8FFFFFFF  }
0x98: {  	s18 =	sld [smem:$0x3FDB];
	_ =	sdelay $0x1  }
0x99: {  	s19 =	simm.s32 $_scs_section_size  }
0x9a: {  	s4 =	simm.s32 $_size__tile_overlayer_lowered;
	s5 =	simm.s32 $_tile_overlayer_lowered  }
0x9b: {  	s22 =	simm.s32 $0x1BFF;
	s21 =	sshll.u32 s5, $0x1;
	s2 =	sadd.s32 s19, s18  }
0x9c: {  	s6 =	simm.s32 $0x0;
	s20 =	sshll.u32 s4, $0x1;
	s4 =	sadd.s32 s21, s2  }
0x9d: {  	[timem:s6], [sflag:s22] =	dma.local [hbm:s4], s20  }
0x9e: {  	_ =	swait.ge [sflag:s22], s20  }
0x9f: {  	s3 =	ssub.s32 $0x0, s20;
	[sflag:s22] =	ssyncset.done $0x0  }
0xa0: {  	[sflag:s22] =	ssyncadd.s32 s3;
	_ =	sdelay $0x1  }
0xa1: {  	s23 =	simm.s32 $0x1B8B  }
0xa2: {  	_ =	swait.ge [sflag:s23], $0x1  }
0xa3: {  	[sflag:s23] =	ssyncset.done $0x0  }
0xa4: {  	s25 =	simm.s32 $0x1B8E;
	s24 =	sld [smem:$0x3FFE];
	[sflag:s23] =	ssyncadd.s32 $0xFFFFFFFF  }
0xa5: {  	s26 =	simm.s32 $execute0_lowered;
	[smem:$0x3FD2] =	sst s25  }
0xa6: {  	s4 =	sshll.u32 s26, $0x1;
	_ =	strace $0x80000049;
	[dreg:$0x1] =	wrdreg $0xFFFFFFFF  }
0xa7: {  	s28 =	simm.s32 $_size_execute0_lowered;
	s2 =	sadd.s32 s2, s4;
	[dreg:$0x0] =	wrdreg $0x0  }
0xa8: {  	s4 =	sshll.u32 s28, $0x1;
	[dreg:$0x2] =	wrdreg s2  }
0xa9: {  	[dreg:$0x3] =	wrdreg s4  }
0xaa: {  	[dreg:$0x4] =	wrdreg $0xC0  }
0xab: {  	_ =	task [dreg:s6], $0x5FFFF  }
0xac: {  	[dreg:$0x1] =	wrdreg $0xFFFFFFFF  }
0xad: {  	[dreg:$0x0] =	wrdreg $0x60  }
0xae: {  	[dreg:$0x2] =	wrdreg s24  }
0xaf: {  	[dreg:$0x3] =	wrdreg $0xA8000  }
0xb0: {  	[dreg:$0x4] =	wrdreg $0x9  }
0xb1: {  	_ =	task.clear_ibuf [dreg:s6], $0x5FFFF;
	_ =	strace $0x90000049  }
0xb2: {  	s29 =	simm.s32 $0x9;
	_ =	strace $0x8000004B  }
0xb3: {  	_ =	swait.ge [sflag:s29], $0x1  }
0xb4: {  	[sflag:s29] =	ssyncadd.s32 $0xFFFFFFFF  }
0xb5: {  	_ =	strace $0x9000004B  }
0xb6: {  	_ =	sfence  }
0xb7: {  	s30 =	sld [smem:$0x0];
	_ =	sdelay $0x2  }
0xb8: {  	s31 =	sshll.u32 s1, $0xD;
	s1 =	sshrl.u32 s1, $0x2  }
0xb9: {  	s3 =	sand.u32 $0x4000, s31;
	s1 =	sadd.s32 s1, s30  }
0xba: {  	s0 =	sor.u32 s3, s0;
	s1 =	sshll.u32 s1, $0x11  }
0xbb: {  	s0 =	sor.u32 s1, s0  }
0xbc: {  	s0 =	sadd.s32 $0x8F2B, s0  }
0xbd: {  	[sflag:s0] =	ssyncadd.remote.s32 $0x1  }
0xbe: {  	_ =	sfence.sel $0xFFFF  }
0xbf: {  	[dreg:$0x0] =	wrdreg $0xFFFFFFFF;
	(pc) =	sbr.abs _section_cstart, $3  }
0xc0: {  	[dreg:$0x1] =	wrdreg $0xFFFFFFFF  }
0xc1: {  	_ =	task.clear_ibuf [dreg:s6], $0x2FFFF;
	_ =	strace $0x9FFFFFFF  }
0xc2: {  	(tm) =	ssettm $0x7FFFFFFF  }
0xc3: {  	_ =	shalt  }
tec
execute0_lowered:
.L_overlay_start_1:
0x0: {  	(tag) =	ssettag $0x1  }
0x1: {  	s5 =	rddreg [dreg:$0x0]  }
0x2: {  	s2 =	rddreg [dreg:$0x1]  }
0x3: {  	s0 =	rddreg [dreg:$0x2]  }
0x4: {  	s3 =	simm.s32 $0x0;
	s1 =	stileid.u32;
	s4 =	srdreg.scid  }
0x5: {  	s16 =	simm.s32 $0x80;
	s17 =	simm.s32 $0x2800;
	s18 =	simm.s32 $0x6800  }
0x6: {  	s19 =	simm.s32 $0x1;
	s20 =	simm.s32 $0x2;
	s21 =	simm.s32 $0x1380  }
0x7: {  	s22 =	simm.s32 $0x2700;
	s23 =	simm.s32 $0x2780;
	s24 =	simm.s32 $0x0  }
0x8: {  	[smem:$0x7FF] =	sst s3;
	s6 =	smul.u32 $0x14000, s1;
	s7 =	sand.u32 $0x1, s4  }
0x9: {  	s9 =	sadd.s32 $0x85400, s5;
	s10 =	sadd.s32 $0x2C00, s5;
	s4 =	sadd.s32 $0x34C00, s5  }
0xa: {  	s12 =	smul.u32 $0x50000, s1;
	s30 =	sshll.u32 s1, $0x6;
	_ =	strace $0x8000004A  }
0xb: {  	s8 =	smul.u32 $0x140000, s7;
	s28 =	sshll.u32 s7, $0x4;
	s7 =	ssub.s32 $0x2, s7  }
0xc: {  	s11 =	sshrl.u32 s6, $0x3;
	s13 =	sshrl.u32 s7, $0x1;
	s29 =	sshrl.u32 s12, $0x2  }
0xd: {  	s11 =	sadd.s32 s11, s5;
	s6 =	sadd.s32 s6, s8;
	s8 =	sor.u32 s1, s28  }
0xe: {  	s13 =	ssub.s32 s7, s13;
	s15 =	sadd.s32 s29, s2;
	s6 =	sshrl.u32 s6, $0x3  }
0xf: {  	s8 =	smul.u32 $0x2800, s8;
	s12 =	smax.u32 s13, $0x1;
	s13 =	sshrl.u32 s15, $0x3  }
0x10: {  	s15 =	simm.s32 $0x1400;
	s14 =	sadd.s32 s6, s5;
	s5 =	sadd.s32 $0xCC00, s11  }
0x11: {  	s6 =	sor.u32 $0x1C03, s30;
	s8 =	sshrl.u32 s8, $0x3;
	s11 =	sadd.s32 $0x8F400, s14  }
0x12: {  	s14 =	simm.s32 $0x3;
	s31 =	sadd.s32 $0x280, s8;
	s7 =	sadd.s32 s9, s8  }
0x13: {  	s8 =	sadd.s32 s10, s8;
	s9 =	sadd.s32 s9, s31;
	s10 =	sadd.s32 s10, s31  }
.LBB2_1:
0x14: {  	[spmem:s13], [sflag:s6] =	dma.local [hbm:s5], $0x2800  }
0x15: {  	_ =	swait.ge [sflag:s14], $0x2800  }
0x16: {  	[sflag:s14] =	ssyncset.done $0x0  }
0x17: {  	[sflag:s14] =	ssyncadd.s32 $0xFFFFD800  }
0x18: {  	[bflag:$0x0] =	sbarrier.arrive $0xFFFF  }
0x19: {  	[tilespmem:s3], [sflag:$0x3] =	stream.linear.gather [hbm4b:s7+s3], $0x1400, $0x38;
	[tilespmem:$0x1E800] =	vst v63  }
0x1a: {  	_ =	swait.ge [sflag:s14], $0x1400  }
0x1b: {  	[sflag:s14] =	ssyncset.done $0x0  }
0x1c: {  	[sflag:s14] =	ssyncadd.s32 $0xFFFFEC00  }
0x1d: {  	[tilespmem:s15], [sflag:$0x3] =	stream.linear.gather [hbm4b:s8+s3], $0x1400, $0x38;
	[tilespmem:$0x1E800] =	vst v63  }
0x1e: {  	_ =	swait.ge [sflag:s14], $0x1400  }
0x1f: {  	[sflag:s14] =	ssyncset.done $0x0  }
0x20: {  	[sflag:s14] =	ssyncadd.s32 $0xFFFFEC00  }
0x21: {  	[tilespmem:s17], [sflag:$0x1] =	stream.indirect.gather [hbm4b:s4+s16], $0x80, s3, s16, $0xb8;
	[tilespmem:$0x1E800] =	vst v63  }
0x22: {  	s25 =	simm.s32 $0x80  }
0x23: {  	[tilespmem:s18], [sflag:$0x2] =	stream.indirect.gather [hbm4b:s4+s16], $0x80, s25, s16, $0xb8;
	[tilespmem:$0x1E800] =	vst v63  }
0x24: {  	_ =	swait.ge [sflag:s19], $0x4000  }
0x25: {  	[sflag:s19] =	ssyncset.done $0x0  }
0x26: {  	s29 =	simm.s32 $0x1400;
	[sflag:s19] =	ssyncadd.s32 $0xFFFFC000  }
0x27: {  	[spmem:s2] =	stream.indirect.scatter.add.f32 [tilespmem:s17], [sflag:$0x3], $0x80, s29, s16, $0xb8;
	[tilespmem:$0x1E800] =	vst v63  }
0x28: {  	_ =	swait.ge [sflag:s14], $0x4000  }
0x29: {  	[sflag:s14] =	ssyncset.done $0x0  }
0x2a: {  	s30 =	simm.s32 $0x100;
	[sflag:s14] =	ssyncadd.s32 $0xFFFFC000  }
0x2b: {  	[tilespmem:s17], [sflag:$0x1] =	stream.indirect.gather [hbm4b:s4+s16], $0x80, s30, s16, $0xb8;
	[tilespmem:$0x1E800] =	vst v63  }
0x2c: {  	_ =	swait.ge [sflag:s20], $0x4000  }
0x2d: {  	[sflag:s20] =	ssyncset.done $0x0  }
0x2e: {  	s31 =	simm.s32 $0x1480;
	[sflag:s20] =	ssyncadd.s32 $0xFFFFC000  }
0x2f: {  	[spmem:s2] =	stream.indirect.scatter.add.f32 [tilespmem:s18], [sflag:$0x3], $0x80, s31, s16, $0xb8;
	[tilespmem:$0x1E800] =	vst v63  }
0x30: {  	_ =	swait.ge [sflag:s14], $0x4000  }
0x31: {  	s26 =	simm.s32 $0x800;
	s25 =	simm.s32 $0x100;
	[sflag:s14] =	ssyncset.done $0x0  }
.LBB2_2:
0x32: {  	s28 =	sadd.s32 $0x80, s25  }
0x33: {  	[sflag:s14] =	ssyncadd.s32 $0xFFFFC000;
	s29 =	smov.u32 s26;
	s30 =	sadd.s32 $0x400, s26  }
0x34: {  	[tilespmem:s18], [sflag:$0x2] =	stream.indirect.gather [hbm4b:s4+s16], $0x80, s28, s16, $0xb8;
	[tilespmem:$0x1E800] =	vst v63  }
0x35: {  	p0 =	sne.s32 s26, $0x4800;
	_ =	swait.ge [sflag:s19], $0x4000  }
0x36: {  	[sflag:s19] =	ssyncset.done $0x0  }
0x37: {  	s26 =	sadd.s32 $0x1400, s25;
	[sflag:s19] =	ssyncadd.s32 $0xFFFFC000  }
0x38: {  	[spmem:s2] =	stream.indirect.scatter.add.f32 [tilespmem:s17], [sflag:$0x3], $0x80, s26, s16, $0xb8;
	[tilespmem:$0x1E800] =	vst v63  }
0x39: {  	_ =	swait.ge [sflag:s14], $0x4000  }
0x3a: {  	[sflag:s14] =	ssyncset.done $0x0  }
0x3b: {  	s26 =	sadd.s32 $0x100, s25;
	[sflag:s14] =	ssyncadd.s32 $0xFFFFC000  }
0x3c: {  	[tilespmem:s17], [sflag:$0x1] =	stream.indirect.gather [hbm4b:s4+s16], $0x80, s26, s16, $0xb8;
	[tilespmem:$0x1E800] =	vst v63  }
0x3d: {  	_ =	swait.ge [sflag:s20], $0x4000  }
.Ltmp0:
0x3e: {  	[sflag:s20] =	ssyncset.done $0x0;
	(pc) =	sbr.rel @p0 .LBB2_2-.Ltmp0, $4  }
0x3f: {  	s25 =	sadd.s32 $0x1480, s25;
	[sflag:s20] =	ssyncadd.s32 $0xFFFFC000  }
0x40: {  	[spmem:s2] =	stream.indirect.scatter.add.f32 [tilespmem:s18], [sflag:$0x3], $0x80, s25, s16, $0xb8;
	[tilespmem:$0x1E800] =	vst v63  }
0x41: {  	_ =	swait.ge [sflag:s14], $0x4000  }
0x42: {  	s26 =	smov.u32 s30;
	s25 =	sshra.s32 s29, $0x2;
	[sflag:s14] =	ssyncset.done $0x0  }
0x43: {  	s26 =	sadd.s32 $0x80, s25;
	[sflag:s14] =	ssyncadd.s32 $0xFFFFC000  }
0x44: {  	[tilespmem:s18], [sflag:$0x2] =	stream.indirect.gather [hbm4b:s4+s16], $0x80, s26, s16, $0xb8;
	[tilespmem:$0x1E800] =	vst v63  }
0x45: {  	_ =	swait.ge [sflag:s19], $0x4000  }
0x46: {  	[sflag:s19] =	ssyncset.done $0x0  }
0x47: {  	s29 =	sadd.s32 $0x1400, s25;
	[sflag:s19] =	ssyncadd.s32 $0xFFFFC000  }
0x48: {  	[spmem:s2] =	stream.indirect.scatter.add.f32 [tilespmem:s17], [sflag:$0x3], $0x80, s29, s16, $0xb8;
	[tilespmem:$0x1E800] =	vst v63  }
0x49: {  	_ =	swait.ge [sflag:s14], $0x4000  }
0x4a: {  	[sflag:s14] =	ssyncset.done $0x0  }
0x4b: {  	s30 =	sadd.s32 $0x100, s25;
	[sflag:s14] =	ssyncadd.s32 $0xFFFFC000  }
0x4c: {  	[tilespmem:s17], [sflag:$0x1] =	stream.indirect.gather [hbm4b:s4+s16], $0x80, s30, s16, $0xb8;
	[tilespmem:$0x1E800] =	vst v63  }
0x4d: {  	_ =	swait.ge [sflag:s20], $0x4000  }
0x4e: {  	[sflag:s20] =	ssyncset.done $0x0  }
0x4f: {  	s31 =	sadd.s32 $0x1480, s25;
	[sflag:s20] =	ssyncadd.s32 $0xFFFFC000  }
0x50: {  	[spmem:s2] =	stream.indirect.scatter.add.f32 [tilespmem:s18], [sflag:$0x3], $0x80, s31, s16, $0xb8;
	[tilespmem:$0x1E800] =	vst v63  }
0x51: {  	_ =	swait.ge [sflag:s14], $0x4000  }
0x52: {  	[sflag:s14] =	ssyncset.done $0x0  }
0x53: {  	[sflag:s14] =	ssyncadd.s32 $0xFFFFC000  }
0x54: {  	[tilespmem:s18], [sflag:$0x2] =	stream.indirect.gather [hbm4b:s4+s16], $0x80, s21, s16, $0xb8;
	[tilespmem:$0x1E800] =	vst v63  }
0x55: {  	_ =	swait.ge [sflag:s19], $0x4000  }
0x56: {  	[sflag:s19] =	ssyncset.done $0x0  }
0x57: {  	[sflag:s19] =	ssyncadd.s32 $0xFFFFC000  }
0x58: {  	[spmem:s2] =	stream.indirect.scatter.add.f32 [tilespmem:s17], [sflag:$0x3], $0x80, s22, s16, $0xb8;
	[tilespmem:$0x1E800] =	vst v63  }
0x59: {  	_ =	swait.ge [sflag:s14], $0x4000  }
0x5a: {  	[sflag:s14] =	ssyncset.done $0x0  }
0x5b: {  	[sflag:s14] =	ssyncadd.s32 $0xFFFFC000  }
0x5c: {  	_ =	swait.ge [sflag:s20], $0x4000  }
0x5d: {  	[sflag:s20] =	ssyncset.done $0x0  }
0x5e: {  	[sflag:s20] =	ssyncadd.s32 $0xFFFFC000  }
0x5f: {  	[spmem:s2] =	stream.indirect.scatter.add.f32 [tilespmem:s18], [sflag:$0x3], $0x80, s23, s16, $0xb8;
	[tilespmem:$0x1E800] =	vst v63  }
0x60: {  	_ =	swait.ge [sflag:s14], $0x4000  }
0x61: {  	[sflag:s14] =	ssyncset.done $0x0  }
0x62: {  	s26 =	simm.s32 $0x0;
	[sflag:s14] =	ssyncadd.s32 $0xFFFFC000  }
0x63: {  	[tilespmem:s26], [sflag:$0x3] =	stream.linear.gather [hbm4b:s9+s26], $0x1400, $0x38;
	[tilespmem:$0x1E800] =	vst v63  }
0x64: {  	_ =	swait.ge [sflag:s14], $0x1400  }
0x65: {  	[sflag:s14] =	ssyncset.done $0x0  }
0x66: {  	[sflag:s14] =	ssyncadd.s32 $0xFFFFEC00  }
0x67: {  	[tilespmem:s15], [sflag:$0x3] =	stream.linear.gather [hbm4b:s10+s26], $0x1400, $0x38;
	[tilespmem:$0x1E800] =	vst v63  }
0x68: {  	_ =	swait.ge [sflag:s14], $0x1400  }
0x69: {  	[sflag:s14] =	ssyncset.done $0x0  }
0x6a: {  	[sflag:s14] =	ssyncadd.s32 $0xFFFFEC00  }
0x6b: {  	[tilespmem:s17], [sflag:$0x1] =	stream.indirect.gather [hbm4b:s4+s16], $0x80, s26, s16, $0xb8;
	[tilespmem:$0x1E800] =	vst v63  }
0x6c: {  	s28 =	simm.s32 $0x80  }
0x6d: {  	[tilespmem:s18], [sflag:$0x2] =	stream.indirect.gather [hbm4b:s4+s16], $0x80, s28, s16, $0xb8;
	[tilespmem:$0x1E800] =	vst v63  }
0x6e: {  	_ =	swait.ge [sflag:s19], $0x4000  }
0x6f: {  	[sflag:s19] =	ssyncset.done $0x0  }
0x70: {  	s29 =	simm.s32 $0x1400;
	[sflag:s19] =	ssyncadd.s32 $0xFFFFC000  }
0x71: {  	[spmem:s2] =	stream.indirect.scatter.add.f32 [tilespmem:s17], [sflag:$0x3], $0x80, s29, s16, $0xb8;
	[tilespmem:$0x1E800] =	vst v63  }
0x72: {  	_ =	swait.ge [sflag:s14], $0x4000  }
0x73: {  	[sflag:s14] =	ssyncset.done $0x0  }
0x74: {  	s30 =	simm.s32 $0x100;
	[sflag:s14] =	ssyncadd.s32 $0xFFFFC000  }
0x75: {  	[tilespmem:s17], [sflag:$0x1] =	stream.indirect.gather [hbm4b:s4+s16], $0x80, s30, s16, $0xb8;
	[tilespmem:$0x1E800] =	vst v63  }
0x76: {  	_ =	swait.ge [sflag:s20], $0x4000  }
0x77: {  	[sflag:s20] =	ssyncset.done $0x0  }
0x78: {  	s31 =	simm.s32 $0x1480;
	[sflag:s20] =	ssyncadd.s32 $0xFFFFC000  }
0x79: {  	[spmem:s2] =	stream.indirect.scatter.add.f32 [tilespmem:s18], [sflag:$0x3], $0x80, s31, s16, $0xb8;
	[tilespmem:$0x1E800] =	vst v63  }
0x7a: {  	_ =	swait.ge [sflag:s14], $0x4000  }
0x7b: {  	s25 =	simm.s32 $0x100;
	s26 =	simm.s32 $0x800;
	[sflag:s14] =	ssyncset.done $0x0  }
.LBB2_4:
0x7c: {  	s28 =	sadd.s32 $0x80, s25  }
0x7d: {  	[sflag:s14] =	ssyncadd.s32 $0xFFFFC000;
	s29 =	smov.u32 s26;
	s30 =	sadd.s32 $0x400, s26  }
0x7e: {  	[tilespmem:s18], [sflag:$0x2] =	stream.indirect.gather [hbm4b:s4+s16], $0x80, s28, s16, $0xb8;
	[tilespmem:$0x1E800] =	vst v63  }
0x7f: {  	p0 =	sne.s32 s26, $0x4800;
	_ =	swait.ge [sflag:s19], $0x4000  }
0x80: {  	[sflag:s19] =	ssyncset.done $0x0  }
0x81: {  	s26 =	sadd.s32 $0x1400, s25;
	[sflag:s19] =	ssyncadd.s32 $0xFFFFC000  }
0x82: {  	[spmem:s2] =	stream.indirect.scatter.add.f32 [tilespmem:s17], [sflag:$0x3], $0x80, s26, s16, $0xb8;
	[tilespmem:$0x1E800] =	vst v63  }
0x83: {  	_ =	swait.ge [sflag:s14], $0x4000  }
0x84: {  	[sflag:s14] =	ssyncset.done $0x0  }
0x85: {  	s26 =	sadd.s32 $0x100, s25;
	[sflag:s14] =	ssyncadd.s32 $0xFFFFC000  }
0x86: {  	[tilespmem:s17], [sflag:$0x1] =	stream.indirect.gather [hbm4b:s4+s16], $0x80, s26, s16, $0xb8;
	[tilespmem:$0x1E800] =	vst v63  }
0x87: {  	_ =	swait.ge [sflag:s20], $0x4000  }
.Ltmp1:
0x88: {  	[sflag:s20] =	ssyncset.done $0x0;
	(pc) =	sbr.rel @p0 .LBB2_4-.Ltmp1, $4  }
0x89: {  	s25 =	sadd.s32 $0x1480, s25;
	[sflag:s20] =	ssyncadd.s32 $0xFFFFC000  }
0x8a: {  	[spmem:s2] =	stream.indirect.scatter.add.f32 [tilespmem:s18], [sflag:$0x3], $0x80, s25, s16, $0xb8;
	[tilespmem:$0x1E800] =	vst v63  }
0x8b: {  	_ =	swait.ge [sflag:s14], $0x4000  }
0x8c: {  	s26 =	smov.u32 s30;
	s25 =	sshra.s32 s29, $0x2;
	[sflag:s14] =	ssyncset.done $0x0  }
0x8d: {  	s26 =	sadd.s32 $0x80, s25;
	[sflag:s14] =	ssyncadd.s32 $0xFFFFC000  }
0x8e: {  	[tilespmem:s18], [sflag:$0x2] =	stream.indirect.gather [hbm4b:s4+s16], $0x80, s26, s16, $0xb8;
	[tilespmem:$0x1E800] =	vst v63  }
0x8f: {  	_ =	swait.ge [sflag:s19], $0x4000  }
0x90: {  	[sflag:s19] =	ssyncset.done $0x0  }
0x91: {  	s29 =	sadd.s32 $0x1400, s25;
	[sflag:s19] =	ssyncadd.s32 $0xFFFFC000  }
0x92: {  	[spmem:s2] =	stream.indirect.scatter.add.f32 [tilespmem:s17], [sflag:$0x3], $0x80, s29, s16, $0xb8;
	[tilespmem:$0x1E800] =	vst v63  }
0x93: {  	_ =	swait.ge [sflag:s14], $0x4000  }
0x94: {  	[sflag:s14] =	ssyncset.done $0x0  }
0x95: {  	s30 =	sadd.s32 $0x100, s25;
	[sflag:s14] =	ssyncadd.s32 $0xFFFFC000  }
0x96: {  	[tilespmem:s17], [sflag:$0x1] =	stream.indirect.gather [hbm4b:s4+s16], $0x80, s30, s16, $0xb8;
	[tilespmem:$0x1E800] =	vst v63  }
0x97: {  	_ =	swait.ge [sflag:s20], $0x4000  }
0x98: {  	[sflag:s20] =	ssyncset.done $0x0  }
0x99: {  	s31 =	sadd.s32 $0x1480, s25;
	[sflag:s20] =	ssyncadd.s32 $0xFFFFC000  }
0x9a: {  	[spmem:s2] =	stream.indirect.scatter.add.f32 [tilespmem:s18], [sflag:$0x3], $0x80, s31, s16, $0xb8;
	[tilespmem:$0x1E800] =	vst v63  }
0x9b: {  	_ =	swait.ge [sflag:s14], $0x4000  }
0x9c: {  	[sflag:s14] =	ssyncset.done $0x0  }
0x9d: {  	[sflag:s14] =	ssyncadd.s32 $0xFFFFC000  }
0x9e: {  	[tilespmem:s18], [sflag:$0x2] =	stream.indirect.gather [hbm4b:s4+s16], $0x80, s21, s16, $0xb8;
	[tilespmem:$0x1E800] =	vst v63  }
0x9f: {  	_ =	swait.ge [sflag:s19], $0x4000  }
0xa0: {  	[sflag:s19] =	ssyncset.done $0x0  }
0xa1: {  	[sflag:s19] =	ssyncadd.s32 $0xFFFFC000  }
0xa2: {  	[spmem:s2] =	stream.indirect.scatter.add.f32 [tilespmem:s17], [sflag:$0x3], $0x80, s22, s16, $0xb8;
	[tilespmem:$0x1E800] =	vst v63  }
0xa3: {  	_ =	swait.ge [sflag:s14], $0x4000  }
0xa4: {  	[sflag:s14] =	ssyncset.done $0x0  }
0xa5: {  	[sflag:s14] =	ssyncadd.s32 $0xFFFFC000  }
0xa6: {  	_ =	swait.ge [sflag:s20], $0x4000  }
0xa7: {  	[sflag:s20] =	ssyncset.done $0x0  }
0xa8: {  	[sflag:s20] =	ssyncadd.s32 $0xFFFFC000  }
0xa9: {  	[spmem:s2] =	stream.indirect.scatter.add.f32 [tilespmem:s18], [sflag:$0x3], $0x80, s23, s16, $0xb8;
	[tilespmem:$0x1E800] =	vst v63  }
0xaa: {  	_ =	swait.ge [sflag:s14], $0x4000  }
0xab: {  	s24 =	sadd.s32 $0x1, s24;
	[sflag:s14] =	ssyncset.done $0x0  }
0xac: {  	p0 =	sne.s32 s24, s12;
	[sflag:s14] =	ssyncadd.s32 $0xFFFFC000  }
.Ltmp2:
0xad: {  	[bflag:$0x0] =	sbarrier.arrive $0xFFFF;
	(pc) =	sbr.rel @p0 .LBB2_1-.Ltmp2, $4  }
0xae: {  	[hbm:s11], [sflag:s6] =	dma.local [spmem:s13], $0x2800  }
0xaf: {  	_ =	swait.ge [sflag:s14], $0x2800  }
0xb0: {  	[sflag:s14] =	ssyncset.done $0x0  }
0xb1: {  	[sflag:s14] =	ssyncadd.s32 $0xFFFFD800  }
0xb2: {  	_ =	sfence.sel $0x180000  }
0xb3: {  	[bflag:$0x0] =	sbarrier.arrive $0xFFFF  }
0xb4: {  	p0 =	sne.s32 s1, $0x0;
	_ =	strace $0x9000004A  }
0xb5: {  	s0 =	sadd.s32 @!p0 $0x100000, s0;
	[bflag:$0x2] =	sbarrier.arrive $0xFFFF  }
0xb6: {  	[sflag:s0] =	ssyncadd.tile.s32 @!p0 $0x1;
	_ =	shalt  }
.Lfunc_end2:
_tile_overlayer_lowered:
.L_overlay_start_2:
0xb7: {  	(tag) =	ssettag $0x2  }
0xb8: {  	s0 =	rddreg [dreg:$0x0];
	s2 =	stileid.u32  }
0xb9: {  	s1 =	rddreg [dreg:$0x1];
	p0 =	sne.s32 s2, $0x0  }
0xba: {  	s3 =	rddreg [dreg:$0x2];
	[bflag:$0x3] =	sbarrier.arrive $0xFFFF;
	s2 =	simm.s32 @!p0 $0x1C03  }
0xbb: {  	[timem:s3], [sflag:s2] =	dma.local @!p0 [hbm:s0], s1  }
0xbc: {  	s0 =	simm.s32 @!p0 $0x3  }
0xbd: {  	_ =	swait.ge @!p0 [sflag:s0], s1  }
0xbe: {  	s1 =	ssub.s32 @!p0 $0x0, s1;
	[sflag:s0] =	ssyncset.done @!p0 $0x0  }
0xbf: {  	[sflag:s0] =	ssyncadd.s32 @!p0 s1  }
0xc0: {  	[bflag:$0x3] =	sbarrier.arrive $0xFFFF  }
0xc1: {  	_ =	shalt  }

// kernel: kernel.14.cloned.1.call-start
scs
__scs_entry_jumppad:
0x0: {  	(pc) =	sbr.rel $0x88, $3  }
0x1: {  	(tag) =	ssettag $0x0;
	lr =	simm.s32 $0x1  }
0x2: {  	[smem:$0x3F98] =	sst lr;
	_ =	strace $0xD0000000  }
0x3: {  	_ = 	snop  }
0x4: {  	_ = 	snop  }
0x5: {  	_ = 	snop  }
0x6: {  	_ = 	snop  }
0x7: {  	_ = 	snop  }
__scs_overlays_trampoline_lowered:
0x8: {  	[smem:$0x3FA7] =	sst s0  }
0x9: {  	[smem:$0x3FA8] =	sst s1  }
0xa: {  	[smem:$0x3FA9] =	sst s2  }
0xb: {  	[smem:$0x3FAA] =	sst s3  }
0xc: {  	[smem:$0x3FAB] =	sst s4  }
0xd: {  	[smem:$0x3FAC] =	sst s5  }
0xe: {  	[smem:$0x3FAD] =	sst s6  }
0xf: {  	[smem:$0x3FAE] =	sst s7  }
0x10: {  	[smem:$0x3FAF] =	sst s8  }
0x11: {  	[smem:$0x3FB0] =	sst s9;
	s0 =	simm.s32 @!p0 $0x0  }
0x12: {  	s1 =	sld [smem:$0x3F96];
	s0 =	simm.s32 @p0 $0x1  }
0x13: {  	[smem:$0x3FB1] =	sst s0;
	s0 =	simm.s32 @!p1 $0x0  }
0x14: {  	s2 =	sld [smem:$0x3F95];
	s0 =	simm.s32 @p1 $0x1  }
0x15: {  	[smem:$0x3FB2] =	sst s0;
	s0 =	simm.s32 @!p2 $0x0  }
0x16: {  	s3 =	sld [smem:$0x3FDB];
	s0 =	simm.s32 @p2 $0x1  }
0x17: {  	s4 =	simm.s32 $0x1BF5;
	[smem:$0x3FB4] =	sst s0  }
0x18: {  	s0 =	sld [smem:$0x3F97];
	_ =	swait.ge [sflag:s4], $0x0  }
0x19: {  	s7 =	sld [smem:$0x3F98]  }
0x1a: {  	s8 =	sadd.s32 $0xFFFFE003, lr  }
0x1b: {  	s9 =	sadd.s32 $0xFFFFFEF7, lr;
	s5 =	simm.s32 $0xFFFFFFFF;
	p2 =	slt.u32 s8, $0xFFFFF086  }
0x1c: {  	p1 =	slt.u32 s9, $0xF7A;
	s5 =	simm.s32 @!p2 $0x0  }
0x1d: {  	s5 =	simm.s32 @p1 $0x1;
	p0 =	seq.s32 s7, s2  }
0x1e: {  	s7 =	smul.u32 @!p0 $0xF7A, s2;
	p2 =	seq.s32 @!p0 s5, $0x0  }
0x1f: {  	s9 =	smul.u32 $0xF7A, s1;
	s8 =	simm.s32 @!p0 $0x1BF5;
	p2 =	por !p2, p0  }
0x20: {  	[sflag:s8] =	ssyncset.s32 @!p0 $0xFFFFF086;
	s6 =	sadd.s32 @!p0 s3, s7;
	s7 =	simm.s32 @!p0 $0x108  }
0x21: {  	s3 =	sadd.s32 s3, s9;
	s6 =	sadd.s32 @!p0 $0x88, s6;
	s7 =	simm.s32 @p2 $0x1082  }
0x22: {  	[simem:s7], [sflag:s8] =	dma.local @!p0 [hbm:s6], $0xF7A  }
0x23: {  	s9 =	sor.u32 $0xD0000000, s2;
	s6 =	simm.s32 $0x108;
	_ =	swait.ge @!p0 [sflag:s8], $0x0  }
0x24: {  	s3 =	sadd.s32 $0x88, s3;
	s6 =	simm.s32 @!p1 $0x1082;
	[sflag:s4] =	ssyncset.s32 $0xFFFFF086  }
0x25: {  	[simem:s6], [sflag:s4] =	dma.local [hbm:s3], $0xF7A  }
0x26: {  	[smem:$0x3F98] =	sst s1;
	(tag) =	ssettag s2;
	_ =	strace s9  }
0x27: {  	s1 =	sld [smem:$0x3FA8]  }
0x28: {  	s2 =	sld [smem:$0x3FA9]  }
0x29: {  	s4 =	sld [smem:$0x3FAB]  }
0x2a: {  	p0 =	seq.s32 s5, $0x0;
	s5 =	sld [smem:$0x3FAC]  }
0x2b: {  	s6 =	sld [smem:$0x3FAD]  }
0x2c: {  	s7 =	sld [smem:$0x3FAE]  }
0x2d: {  	s3 =	simm.s32 $0x108;
	s8 =	sld [smem:$0x3FAF]  }
0x2e: {  	s3 =	simm.s32 @!p0 $0x1082;
	s9 =	sld [smem:$0x3FB0]  }
0x2f: {  	lr =	sadd.s32 s0, s3;
	s0 =	sld [smem:$0x3FA7]  }
0x30: {  	s3 =	sld [smem:$0x3FAA]  }
0x31: {  	[smem:$0x3FB3] =	sst s10  }
0x32: {  	s10 =	sld [smem:$0x3FB1];
	_ =	sdelay $0x3  }
0x33: {  	p0 =	seq.s32 s10, $0x1;
	s10 =	sld [smem:$0x3FB3];
	_ =	sdelay $0x3  }
0x34: {  	[smem:$0x3FB3] =	sst s10  }
0x35: {  	s10 =	sld [smem:$0x3FB2];
	_ =	sdelay $0x3  }
0x36: {  	p1 =	seq.s32 s10, $0x1;
	s10 =	sld [smem:$0x3FB3];
	_ =	sdelay $0x3  }
0x37: {  	[smem:$0x3FB3] =	sst s10  }
0x38: {  	s10 =	sld [smem:$0x3FB4]  }
0x39: {  	_ = 	snop;
	(pc) =	sbr.ind lr, $3  }
0x3a: {  	_ = 	snop  }
0x3b: {  	_ = 	snop  }
0x3c: {  	p2 =	seq.s32 s10, $0x1;
	s10 =	sld [smem:$0x3FB3]  }
0x3d: {  	_ =	shalt  }
0x3e: {  	_ =	shalt  }
0x3f: {  	_ =	shalt  }
0x40: {  	_ =	shalt  }
0x41: {  	_ =	shalt  }
0x42: {  	_ =	shalt  }
0x43: {  	_ =	shalt  }
0x44: {  	_ =	shalt  }
0x45: {  	_ =	shalt  }
0x46: {  	_ =	shalt  }
0x47: {  	_ =	shalt  }
0x48: {  	_ =	shalt  }
0x49: {  	_ =	shalt  }
0x4a: {  	_ =	shalt  }
0x4b: {  	_ =	shalt  }
0x4c: {  	_ =	shalt  }
0x4d: {  	_ =	shalt  }
0x4e: {  	_ =	shalt  }
0x4f: {  	_ =	shalt  }
0x50: {  	_ =	shalt  }
0x51: {  	_ =	shalt  }
0x52: {  	_ =	shalt  }
0x53: {  	_ =	shalt  }
0x54: {  	_ =	shalt  }
0x55: {  	_ =	shalt  }
0x56: {  	_ =	shalt  }
0x57: {  	_ =	shalt  }
0x58: {  	_ =	shalt  }
0x59: {  	_ =	shalt  }
0x5a: {  	_ =	shalt  }
0x5b: {  	_ =	shalt  }
0x5c: {  	_ =	shalt  }
0x5d: {  	_ =	shalt  }
0x5e: {  	_ =	shalt  }
0x5f: {  	_ =	shalt  }
0x60: {  	_ =	shalt  }
0x61: {  	_ =	shalt  }
0x62: {  	_ =	shalt  }
0x63: {  	_ =	shalt  }
0x64: {  	_ =	shalt  }
0x65: {  	_ =	shalt  }
0x66: {  	_ =	shalt  }
0x67: {  	_ =	shalt  }
0x68: {  	_ =	shalt  }
0x69: {  	_ =	shalt  }
0x6a: {  	_ =	shalt  }
0x6b: {  	_ =	shalt  }
0x6c: {  	_ =	shalt  }
0x6d: {  	_ =	shalt  }
0x6e: {  	_ =	shalt  }
0x6f: {  	_ =	shalt  }
0x70: {  	_ =	shalt  }
0x71: {  	_ =	shalt  }
0x72: {  	_ =	shalt  }
0x73: {  	_ =	shalt  }
0x74: {  	_ =	shalt  }
0x75: {  	_ =	shalt  }
0x76: {  	_ =	shalt  }
0x77: {  	_ =	shalt  }
0x78: {  	_ =	shalt  }
0x79: {  	_ =	shalt  }
0x7a: {  	_ =	shalt  }
0x7b: {  	_ =	shalt  }
0x7c: {  	_ =	shalt  }
0x7d: {  	_ =	shalt  }
0x7e: {  	_ =	shalt  }
0x7f: {  	_ =	shalt  }
0x80: {  	_ =	shalt  }
0x81: {  	_ =	shalt  }
0x82: {  	_ =	shalt  }
0x83: {  	_ =	shalt  }
0x84: {  	_ =	shalt  }
0x85: {  	_ =	shalt  }
0x86: {  	_ =	shalt  }
0x87: {  	_ =	shalt  }
.Lfunc_end0:
.L_simem_size_0:
called_computation.2_lowered:
.L_overlay_start_0:
0x88: {  	s2 =	sld [smem:$0x3FD9]  }
0x89: {  	s3 =	sld [smem:$0x3FFE];
	_ =	sdelay $0x1  }
0x8a: {  	s1 =	srdreg.scid  }
0x8b: {  	s0 =	sand.u32 $0x1, s1  }
0x8c: {  	s16 =	sshll.u32 s0, $0xA;
	s2 =	sadd.s32 s3, s2  }
0x8d: {  	s2 =	sadd.s32 s2, s16  }
0x8e: {  	[smem:$0x3FBF] =	sst s2  }
0x8f: {  	_ = 	snop  }
0x90: {  	(tm) =	ssettm $0x1  }
0x91: {  	s17 =	sld [smem:$0x3FFB];
	_ =	sdelay $0x3  }
0x92: {  	_ =	strace s17  }
0x93: {  	s2 =	sld [smem:$0x3FFC];
	_ =	sdelay $0x3  }
0x94: {  	_ =	strace s2  }
0x95: {  	s2 =	sld [smem:$0x3FFD];
	_ =	sdelay $0x3  }
0x96: {  	_ =	strace s2  }
0x97: {  	_ =	strace $0x8FFFFFFF  }
0x98: {  	s18 =	sld [smem:$0x3FDB];
	_ =	sdelay $0x1  }
0x99: {  	s19 =	simm.s32 $_scs_section_size  }
0x9a: {  	s4 =	simm.s32 $_size__tile_overlayer_lowered;
	s5 =	simm.s32 $_tile_overlayer_lowered  }
0x9b: {  	s22 =	simm.s32 $0x1BFF;
	s21 =	sshll.u32 s5, $0x1;
	s2 =	sadd.s32 s19, s18  }
0x9c: {  	s6 =	simm.s32 $0x0;
	s20 =	sshll.u32 s4, $0x1;
	s4 =	sadd.s32 s21, s2  }
0x9d: {  	[timem:s6], [sflag:s22] =	dma.local [hbm:s4], s20  }
0x9e: {  	_ =	swait.ge [sflag:s22], s20  }
0x9f: {  	s3 =	ssub.s32 $0x0, s20;
	[sflag:s22] =	ssyncset.done $0x0  }
0xa0: {  	[sflag:s22] =	ssyncadd.s32 s3;
	_ =	sdelay $0x1  }
0xa1: {  	s23 =	simm.s32 $0x1B8B  }
0xa2: {  	_ =	swait.ge [sflag:s23], $0x1  }
0xa3: {  	[sflag:s23] =	ssyncset.done $0x0  }
0xa4: {  	s25 =	simm.s32 $0x1B8E;
	s24 =	sld [smem:$0x3FFE];
	[sflag:s23] =	ssyncadd.s32 $0xFFFFFFFF  }
0xa5: {  	s26 =	simm.s32 $execute0_lowered;
	[smem:$0x3FD2] =	sst s25  }
0xa6: {  	s4 =	sshll.u32 s26, $0x1;
	_ =	strace $0x8000004C;
	[dreg:$0x1] =	wrdreg $0xFFFFFFFF  }
0xa7: {  	s28 =	simm.s32 $_size_execute0_lowered;
	s2 =	sadd.s32 s2, s4;
	[dreg:$0x0] =	wrdreg $0x0  }
0xa8: {  	s4 =	sshll.u32 s28, $0x1;
	[dreg:$0x2] =	wrdreg s2  }
0xa9: {  	[dreg:$0x3] =	wrdreg s4  }
0xaa: {  	[dreg:$0x4] =	wrdreg $0xC0  }
0xab: {  	_ =	task [dreg:s6], $0x5FFFF  }
0xac: {  	[dreg:$0x1] =	wrdreg $0xFFFFFFFF  }
0xad: {  	[dreg:$0x0] =	wrdreg $0x60  }
0xae: {  	[dreg:$0x2] =	wrdreg s24  }
0xaf: {  	[dreg:$0x3] =	wrdreg $0xA8000  }
0xb0: {  	[dreg:$0x4] =	wrdreg $0x9  }
0xb1: {  	_ =	task.clear_ibuf [dreg:s6], $0x5FFFF;
	_ =	strace $0x9000004C  }
0xb2: {  	s29 =	simm.s32 $0x9;
	_ =	strace $0x8000004E  }
0xb3: {  	_ =	swait.ge [sflag:s29], $0x1  }
0xb4: {  	[sflag:s29] =	ssyncadd.s32 $0xFFFFFFFF  }
0xb5: {  	_ =	strace $0x9000004E  }
0xb6: {  	_ =	sfence  }
0xb7: {  	s30 =	sld [smem:$0x0];
	_ =	sdelay $0x2  }
0xb8: {  	s31 =	sshll.u32 s1, $0xD;
	s1 =	sshrl.u32 s1, $0x2  }
0xb9: {  	s3 =	sand.u32 $0x4000, s31;
	s1 =	sadd.s32 s1, s30  }
0xba: {  	s0 =	sor.u32 s3, s0;
	s1 =	sshll.u32 s1, $0x11  }
0xbb: {  	s0 =	sor.u32 s1, s0  }
0xbc: {  	s0 =	sadd.s32 $0x8F2B, s0  }
0xbd: {  	[sflag:s0] =	ssyncadd.remote.s32 $0x1  }
0xbe: {  	_ =	sfence.sel $0xFFFF  }
0xbf: {  	[dreg:$0x0] =	wrdreg $0xFFFFFFFF;
	(pc) =	sbr.abs _section_cstart, $3  }
0xc0: {  	[dreg:$0x1] =	wrdreg $0xFFFFFFFF  }
0xc1: {  	_ =	task.clear_ibuf [dreg:s6], $0x2FFFF;
	_ =	strace $0x9FFFFFFF  }
0xc2: {  	(tm) =	ssettm $0x7FFFFFFF  }
0xc3: {  	_ =	shalt  }
tec
execute0_lowered:
.L_overlay_start_1:
0x0: {  	(tag) =	ssettag $0x1  }
0x1: {  	s5 =	rddreg [dreg:$0x0]  }
0x2: {  	s2 =	rddreg [dreg:$0x1]  }
0x3: {  	s0 =	rddreg [dreg:$0x2]  }
0x4: {  	s3 =	simm.s32 $0x0;
	s1 =	stileid.u32;
	s4 =	srdreg.scid  }
0x5: {  	s16 =	simm.s32 $0x80;
	s17 =	simm.s32 $0x2800;
	s18 =	simm.s32 $0x6800  }
0x6: {  	s19 =	simm.s32 $0x1;
	s20 =	simm.s32 $0x2;
	s21 =	simm.s32 $0x1380  }
0x7: {  	s22 =	simm.s32 $0x2700;
	s23 =	simm.s32 $0x2780;
	s24 =	simm.s32 $0x0  }
0x8: {  	[smem:$0x7FF] =	sst s3;
	s6 =	smul.u32 $0x14000, s1;
	s7 =	sand.u32 $0x1, s4  }
0x9: {  	s9 =	sadd.s32 $0x85400, s5;
	s10 =	sadd.s32 $0x2C00, s5;
	s4 =	sadd.s32 $0x34C00, s5  }
0xa: {  	s12 =	smul.u32 $0x50000, s1;
	s30 =	sshll.u32 s1, $0x6;
	_ =	strace $0x8000004D  }
0xb: {  	s8 =	smul.u32 $0x140000, s7;
	s28 =	sshll.u32 s7, $0x4;
	s7 =	ssub.s32 $0x2, s7  }
0xc: {  	s11 =	sshrl.u32 s6, $0x3;
	s13 =	sshrl.u32 s7, $0x1;
	s29 =	sshrl.u32 s12, $0x2  }
0xd: {  	s11 =	sadd.s32 s11, s5;
	s6 =	sadd.s32 s6, s8;
	s8 =	sor.u32 s1, s28  }
0xe: {  	s13 =	ssub.s32 s7, s13;
	s15 =	sadd.s32 s29, s2;
	s6 =	sshrl.u32 s6, $0x3  }
0xf: {  	s8 =	smul.u32 $0x2800, s8;
	s12 =	smax.u32 s13, $0x1;
	s13 =	sshrl.u32 s15, $0x3  }
0x10: {  	s15 =	simm.s32 $0x1400;
	s14 =	sadd.s32 s6, s5;
	s5 =	sadd.s32 $0xCC00, s11  }
0x11: {  	s6 =	sor.u32 $0x1C03, s30;
	s8 =	sshrl.u32 s8, $0x3;
	s11 =	sadd.s32 $0x8F400, s14  }
0x12: {  	s14 =	simm.s32 $0x3;
	s31 =	sadd.s32 $0x280, s8;
	s7 =	sadd.s32 s9, s8  }
0x13: {  	s8 =	sadd.s32 s10, s8;
	s9 =	sadd.s32 s9, s31;
	s10 =	sadd.s32 s10, s31  }
.LBB2_1:
0x14: {  	[spmem:s13], [sflag:s6] =	dma.local [hbm:s5], $0x2800  }
0x15: {  	_ =	swait.ge [sflag:s14], $0x2800  }
0x16: {  	[sflag:s14] =	ssyncset.done $0x0  }
0x17: {  	[sflag:s14] =	ssyncadd.s32 $0xFFFFD800  }
0x18: {  	[bflag:$0x0] =	sbarrier.arrive $0xFFFF  }
0x19: {  	[tilespmem:s3], [sflag:$0x3] =	stream.linear.gather [hbm4b:s7+s3], $0x1400, $0x38;
	[tilespmem:$0x1E800] =	vst v63  }
0x1a: {  	_ =	swait.ge [sflag:s14], $0x1400  }
0x1b: {  	[sflag:s14] =	ssyncset.done $0x0  }
0x1c: {  	[sflag:s14] =	ssyncadd.s32 $0xFFFFEC00  }
0x1d: {  	[tilespmem:s15], [sflag:$0x3] =	stream.linear.gather [hbm4b:s8+s3], $0x1400, $0x38;
	[tilespmem:$0x1E800] =	vst v63  }
0x1e: {  	_ =	swait.ge [sflag:s14], $0x1400  }
0x1f: {  	[sflag:s14] =	ssyncset.done $0x0  }
0x20: {  	[sflag:s14] =	ssyncadd.s32 $0xFFFFEC00  }
0x21: {  	[tilespmem:s17], [sflag:$0x1] =	stream.indirect.gather [hbm4b:s4+s16], $0x80, s3, s16, $0xb8;
	[tilespmem:$0x1E800] =	vst v63  }
0x22: {  	s25 =	simm.s32 $0x80  }
0x23: {  	[tilespmem:s18], [sflag:$0x2] =	stream.indirect.gather [hbm4b:s4+s16], $0x80, s25, s16, $0xb8;
	[tilespmem:$0x1E800] =	vst v63  }
0x24: {  	_ =	swait.ge [sflag:s19], $0x4000  }
0x25: {  	[sflag:s19] =	ssyncset.done $0x0  }
0x26: {  	s29 =	simm.s32 $0x1400;
	[sflag:s19] =	ssyncadd.s32 $0xFFFFC000  }
0x27: {  	[spmem:s2] =	stream.indirect.scatter.add.f32 [tilespmem:s17], [sflag:$0x3], $0x80, s29, s16, $0xb8;
	[tilespmem:$0x1E800] =	vst v63  }
0x28: {  	_ =	swait.ge [sflag:s14], $0x4000  }
0x29: {  	[sflag:s14] =	ssyncset.done $0x0  }
0x2a: {  	s30 =	simm.s32 $0x100;
	[sflag:s14] =	ssyncadd.s32 $0xFFFFC000  }
0x2b: {  	[tilespmem:s17], [sflag:$0x1] =	stream.indirect.gather [hbm4b:s4+s16], $0x80, s30, s16, $0xb8;
	[tilespmem:$0x1E800] =	vst v63  }
0x2c: {  	_ =	swait.ge [sflag:s20], $0x4000  }
0x2d: {  	[sflag:s20] =	ssyncset.done $0x0  }
0x2e: {  	s31 =	simm.s32 $0x1480;
	[sflag:s20] =	ssyncadd.s32 $0xFFFFC000  }
0x2f: {  	[spmem:s2] =	stream.indirect.scatter.add.f32 [tilespmem:s18], [sflag:$0x3], $0x80, s31, s16, $0xb8;
	[tilespmem:$0x1E800] =	vst v63  }
0x30: {  	_ =	swait.ge [sflag:s14], $0x4000  }
0x31: {  	s26 =	simm.s32 $0x800;
	s25 =	simm.s32 $0x100;
	[sflag:s14] =	ssyncset.done $0x0  }
.LBB2_2:
0x32: {  	s28 =	sadd.s32 $0x80, s25  }
0x33: {  	[sflag:s14] =	ssyncadd.s32 $0xFFFFC000;
	s29 =	smov.u32 s26;
	s30 =	sadd.s32 $0x400, s26  }
0x34: {  	[tilespmem:s18], [sflag:$0x2] =	stream.indirect.gather [hbm4b:s4+s16], $0x80, s28, s16, $0xb8;
	[tilespmem:$0x1E800] =	vst v63  }
0x35: {  	p0 =	sne.s32 s26, $0x4800;
	_ =	swait.ge [sflag:s19], $0x4000  }
0x36: {  	[sflag:s19] =	ssyncset.done $0x0  }
0x37: {  	s26 =	sadd.s32 $0x1400, s25;
	[sflag:s19] =	ssyncadd.s32 $0xFFFFC000  }
0x38: {  	[spmem:s2] =	stream.indirect.scatter.add.f32 [tilespmem:s17], [sflag:$0x3], $0x80, s26, s16, $0xb8;
	[tilespmem:$0x1E800] =	vst v63  }
0x39: {  	_ =	swait.ge [sflag:s14], $0x4000  }
0x3a: {  	[sflag:s14] =	ssyncset.done $0x0  }
0x3b: {  	s26 =	sadd.s32 $0x100, s25;
	[sflag:s14] =	ssyncadd.s32 $0xFFFFC000  }
0x3c: {  	[tilespmem:s17], [sflag:$0x1] =	stream.indirect.gather [hbm4b:s4+s16], $0x80, s26, s16, $0xb8;
	[tilespmem:$0x1E800] =	vst v63  }
0x3d: {  	_ =	swait.ge [sflag:s20], $0x4000  }
.Ltmp0:
0x3e: {  	[sflag:s20] =	ssyncset.done $0x0;
	(pc) =	sbr.rel @p0 .LBB2_2-.Ltmp0, $4  }
0x3f: {  	s25 =	sadd.s32 $0x1480, s25;
	[sflag:s20] =	ssyncadd.s32 $0xFFFFC000  }
0x40: {  	[spmem:s2] =	stream.indirect.scatter.add.f32 [tilespmem:s18], [sflag:$0x3], $0x80, s25, s16, $0xb8;
	[tilespmem:$0x1E800] =	vst v63  }
0x41: {  	_ =	swait.ge [sflag:s14], $0x4000  }
0x42: {  	s26 =	smov.u32 s30;
	s25 =	sshra.s32 s29, $0x2;
	[sflag:s14] =	ssyncset.done $0x0  }
0x43: {  	s26 =	sadd.s32 $0x80, s25;
	[sflag:s14] =	ssyncadd.s32 $0xFFFFC000  }
0x44: {  	[tilespmem:s18], [sflag:$0x2] =	stream.indirect.gather [hbm4b:s4+s16], $0x80, s26, s16, $0xb8;
	[tilespmem:$0x1E800] =	vst v63  }
0x45: {  	_ =	swait.ge [sflag:s19], $0x4000  }
0x46: {  	[sflag:s19] =	ssyncset.done $0x0  }
0x47: {  	s29 =	sadd.s32 $0x1400, s25;
	[sflag:s19] =	ssyncadd.s32 $0xFFFFC000  }
0x48: {  	[spmem:s2] =	stream.indirect.scatter.add.f32 [tilespmem:s17], [sflag:$0x3], $0x80, s29, s16, $0xb8;
	[tilespmem:$0x1E800] =	vst v63  }
0x49: {  	_ =	swait.ge [sflag:s14], $0x4000  }
0x4a: {  	[sflag:s14] =	ssyncset.done $0x0  }
0x4b: {  	s30 =	sadd.s32 $0x100, s25;
	[sflag:s14] =	ssyncadd.s32 $0xFFFFC000  }
0x4c: {  	[tilespmem:s17], [sflag:$0x1] =	stream.indirect.gather [hbm4b:s4+s16], $0x80, s30, s16, $0xb8;
	[tilespmem:$0x1E800] =	vst v63  }
0x4d: {  	_ =	swait.ge [sflag:s20], $0x4000  }
0x4e: {  	[sflag:s20] =	ssyncset.done $0x0  }
0x4f: {  	s31 =	sadd.s32 $0x1480, s25;
	[sflag:s20] =	ssyncadd.s32 $0xFFFFC000  }
0x50: {  	[spmem:s2] =	stream.indirect.scatter.add.f32 [tilespmem:s18], [sflag:$0x3], $0x80, s31, s16, $0xb8;
	[tilespmem:$0x1E800] =	vst v63  }
0x51: {  	_ =	swait.ge [sflag:s14], $0x4000  }
0x52: {  	[sflag:s14] =	ssyncset.done $0x0  }
0x53: {  	[sflag:s14] =	ssyncadd.s32 $0xFFFFC000  }
0x54: {  	[tilespmem:s18], [sflag:$0x2] =	stream.indirect.gather [hbm4b:s4+s16], $0x80, s21, s16, $0xb8;
	[tilespmem:$0x1E800] =	vst v63  }
0x55: {  	_ =	swait.ge [sflag:s19], $0x4000  }
0x56: {  	[sflag:s19] =	ssyncset.done $0x0  }
0x57: {  	[sflag:s19] =	ssyncadd.s32 $0xFFFFC000  }
0x58: {  	[spmem:s2] =	stream.indirect.scatter.add.f32 [tilespmem:s17], [sflag:$0x3], $0x80, s22, s16, $0xb8;
	[tilespmem:$0x1E800] =	vst v63  }
0x59: {  	_ =	swait.ge [sflag:s14], $0x4000  }
0x5a: {  	[sflag:s14] =	ssyncset.done $0x0  }
0x5b: {  	[sflag:s14] =	ssyncadd.s32 $0xFFFFC000  }
0x5c: {  	_ =	swait.ge [sflag:s20], $0x4000  }
0x5d: {  	[sflag:s20] =	ssyncset.done $0x0  }
0x5e: {  	[sflag:s20] =	ssyncadd.s32 $0xFFFFC000  }
0x5f: {  	[spmem:s2] =	stream.indirect.scatter.add.f32 [tilespmem:s18], [sflag:$0x3], $0x80, s23, s16, $0xb8;
	[tilespmem:$0x1E800] =	vst v63  }
0x60: {  	_ =	swait.ge [sflag:s14], $0x4000  }
0x61: {  	[sflag:s14] =	ssyncset.done $0x0  }
0x62: {  	s26 =	simm.s32 $0x0;
	[sflag:s14] =	ssyncadd.s32 $0xFFFFC000  }
0x63: {  	[tilespmem:s26], [sflag:$0x3] =	stream.linear.gather [hbm4b:s9+s26], $0x1400, $0x38;
	[tilespmem:$0x1E800] =	vst v63  }
0x64: {  	_ =	swait.ge [sflag:s14], $0x1400  }
0x65: {  	[sflag:s14] =	ssyncset.done $0x0  }
0x66: {  	[sflag:s14] =	ssyncadd.s32 $0xFFFFEC00  }
0x67: {  	[tilespmem:s15], [sflag:$0x3] =	stream.linear.gather [hbm4b:s10+s26], $0x1400, $0x38;
	[tilespmem:$0x1E800] =	vst v63  }
0x68: {  	_ =	swait.ge [sflag:s14], $0x1400  }
0x69: {  	[sflag:s14] =	ssyncset.done $0x0  }
0x6a: {  	[sflag:s14] =	ssyncadd.s32 $0xFFFFEC00  }
0x6b: {  	[tilespmem:s17], [sflag:$0x1] =	stream.indirect.gather [hbm4b:s4+s16], $0x80, s26, s16, $0xb8;
	[tilespmem:$0x1E800] =	vst v63  }
0x6c: {  	s28 =	simm.s32 $0x80  }
0x6d: {  	[tilespmem:s18], [sflag:$0x2] =	stream.indirect.gather [hbm4b:s4+s16], $0x80, s28, s16, $0xb8;
	[tilespmem:$0x1E800] =	vst v63  }
0x6e: {  	_ =	swait.ge [sflag:s19], $0x4000  }
0x6f: {  	[sflag:s19] =	ssyncset.done $0x0  }
0x70: {  	s29 =	simm.s32 $0x1400;
	[sflag:s19] =	ssyncadd.s32 $0xFFFFC000  }
0x71: {  	[spmem:s2] =	stream.indirect.scatter.add.f32 [tilespmem:s17], [sflag:$0x3], $0x80, s29, s16, $0xb8;
	[tilespmem:$0x1E800] =	vst v63  }
0x72: {  	_ =	swait.ge [sflag:s14], $0x4000  }
0x73: {  	[sflag:s14] =	ssyncset.done $0x0  }
0x74: {  	s30 =	simm.s32 $0x100;
	[sflag:s14] =	ssyncadd.s32 $0xFFFFC000  }
0x75: {  	[tilespmem:s17], [sflag:$0x1] =	stream.indirect.gather [hbm4b:s4+s16], $0x80, s30, s16, $0xb8;
	[tilespmem:$0x1E800] =	vst v63  }
0x76: {  	_ =	swait.ge [sflag:s20], $0x4000  }
0x77: {  	[sflag:s20] =	ssyncset.done $0x0  }
0x78: {  	s31 =	simm.s32 $0x1480;
	[sflag:s20] =	ssyncadd.s32 $0xFFFFC000  }
0x79: {  	[spmem:s2] =	stream.indirect.scatter.add.f32 [tilespmem:s18], [sflag:$0x3], $0x80, s31, s16, $0xb8;
	[tilespmem:$0x1E800] =	vst v63  }
0x7a: {  	_ =	swait.ge [sflag:s14], $0x4000  }
0x7b: {  	s25 =	simm.s32 $0x100;
	s26 =	simm.s32 $0x800;
	[sflag:s14] =	ssyncset.done $0x0  }
.LBB2_4:
0x7c: {  	s28 =	sadd.s32 $0x80, s25  }
0x7d: {  	[sflag:s14] =	ssyncadd.s32 $0xFFFFC000;
	s29 =	smov.u32 s26;
	s30 =	sadd.s32 $0x400, s26  }
0x7e: {  	[tilespmem:s18], [sflag:$0x2] =	stream.indirect.gather [hbm4b:s4+s16], $0x80, s28, s16, $0xb8;
	[tilespmem:$0x1E800] =	vst v63  }
0x7f: {  	p0 =	sne.s32 s26, $0x4800;
	_ =	swait.ge [sflag:s19], $0x4000  }
0x80: {  	[sflag:s19] =	ssyncset.done $0x0  }
0x81: {  	s26 =	sadd.s32 $0x1400, s25;
	[sflag:s19] =	ssyncadd.s32 $0xFFFFC000  }
0x82: {  	[spmem:s2] =	stream.indirect.scatter.add.f32 [tilespmem:s17], [sflag:$0x3], $0x80, s26, s16, $0xb8;
	[tilespmem:$0x1E800] =	vst v63  }
0x83: {  	_ =	swait.ge [sflag:s14], $0x4000  }
0x84: {  	[sflag:s14] =	ssyncset.done $0x0  }
0x85: {  	s26 =	sadd.s32 $0x100, s25;
	[sflag:s14] =	ssyncadd.s32 $0xFFFFC000  }
0x86: {  	[tilespmem:s17], [sflag:$0x1] =	stream.indirect.gather [hbm4b:s4+s16], $0x80, s26, s16, $0xb8;
	[tilespmem:$0x1E800] =	vst v63  }
0x87: {  	_ =	swait.ge [sflag:s20], $0x4000  }
.Ltmp1:
0x88: {  	[sflag:s20] =	ssyncset.done $0x0;
	(pc) =	sbr.rel @p0 .LBB2_4-.Ltmp1, $4  }
0x89: {  	s25 =	sadd.s32 $0x1480, s25;
	[sflag:s20] =	ssyncadd.s32 $0xFFFFC000  }
0x8a: {  	[spmem:s2] =	stream.indirect.scatter.add.f32 [tilespmem:s18], [sflag:$0x3], $0x80, s25, s16, $0xb8;
	[tilespmem:$0x1E800] =	vst v63  }
0x8b: {  	_ =	swait.ge [sflag:s14], $0x4000  }
0x8c: {  	s26 =	smov.u32 s30;
	s25 =	sshra.s32 s29, $0x2;
	[sflag:s14] =	ssyncset.done $0x0  }
0x8d: {  	s26 =	sadd.s32 $0x80, s25;
	[sflag:s14] =	ssyncadd.s32 $0xFFFFC000  }
0x8e: {  	[tilespmem:s18], [sflag:$0x2] =	stream.indirect.gather [hbm4b:s4+s16], $0x80, s26, s16, $0xb8;
	[tilespmem:$0x1E800] =	vst v63  }
0x8f: {  	_ =	swait.ge [sflag:s19], $0x4000  }
0x90: {  	[sflag:s19] =	ssyncset.done $0x0  }
0x91: {  	s29 =	sadd.s32 $0x1400, s25;
	[sflag:s19] =	ssyncadd.s32 $0xFFFFC000  }
0x92: {  	[spmem:s2] =	stream.indirect.scatter.add.f32 [tilespmem:s17], [sflag:$0x3], $0x80, s29, s16, $0xb8;
	[tilespmem:$0x1E800] =	vst v63  }
0x93: {  	_ =	swait.ge [sflag:s14], $0x4000  }
0x94: {  	[sflag:s14] =	ssyncset.done $0x0  }
0x95: {  	s30 =	sadd.s32 $0x100, s25;
	[sflag:s14] =	ssyncadd.s32 $0xFFFFC000  }
0x96: {  	[tilespmem:s17], [sflag:$0x1] =	stream.indirect.gather [hbm4b:s4+s16], $0x80, s30, s16, $0xb8;
	[tilespmem:$0x1E800] =	vst v63  }
0x97: {  	_ =	swait.ge [sflag:s20], $0x4000  }
0x98: {  	[sflag:s20] =	ssyncset.done $0x0  }
0x99: {  	s31 =	sadd.s32 $0x1480, s25;
	[sflag:s20] =	ssyncadd.s32 $0xFFFFC000  }
0x9a: {  	[spmem:s2] =	stream.indirect.scatter.add.f32 [tilespmem:s18], [sflag:$0x3], $0x80, s31, s16, $0xb8;
	[tilespmem:$0x1E800] =	vst v63  }
0x9b: {  	_ =	swait.ge [sflag:s14], $0x4000  }
0x9c: {  	[sflag:s14] =	ssyncset.done $0x0  }
0x9d: {  	[sflag:s14] =	ssyncadd.s32 $0xFFFFC000  }
0x9e: {  	[tilespmem:s18], [sflag:$0x2] =	stream.indirect.gather [hbm4b:s4+s16], $0x80, s21, s16, $0xb8;
	[tilespmem:$0x1E800] =	vst v63  }
0x9f: {  	_ =	swait.ge [sflag:s19], $0x4000  }
0xa0: {  	[sflag:s19] =	ssyncset.done $0x0  }
0xa1: {  	[sflag:s19] =	ssyncadd.s32 $0xFFFFC000  }
0xa2: {  	[spmem:s2] =	stream.indirect.scatter.add.f32 [tilespmem:s17], [sflag:$0x3], $0x80, s22, s16, $0xb8;
	[tilespmem:$0x1E800] =	vst v63  }
0xa3: {  	_ =	swait.ge [sflag:s14], $0x4000  }
0xa4: {  	[sflag:s14] =	ssyncset.done $0x0  }
0xa5: {  	[sflag:s14] =	ssyncadd.s32 $0xFFFFC000  }
0xa6: {  	_ =	swait.ge [sflag:s20], $0x4000  }
0xa7: {  	[sflag:s20] =	ssyncset.done $0x0  }
0xa8: {  	[sflag:s20] =	ssyncadd.s32 $0xFFFFC000  }
0xa9: {  	[spmem:s2] =	stream.indirect.scatter.add.f32 [tilespmem:s18], [sflag:$0x3], $0x80, s23, s16, $0xb8;
	[tilespmem:$0x1E800] =	vst v63  }
0xaa: {  	_ =	swait.ge [sflag:s14], $0x4000  }
0xab: {  	s24 =	sadd.s32 $0x1, s24;
	[sflag:s14] =	ssyncset.done $0x0  }
0xac: {  	p0 =	sne.s32 s24, s12;
	[sflag:s14] =	ssyncadd.s32 $0xFFFFC000  }
.Ltmp2:
0xad: {  	[bflag:$0x0] =	sbarrier.arrive $0xFFFF;
	(pc) =	sbr.rel @p0 .LBB2_1-.Ltmp2, $4  }
0xae: {  	[hbm:s11], [sflag:s6] =	dma.local [spmem:s13], $0x2800  }
0xaf: {  	_ =	swait.ge [sflag:s14], $0x2800  }
0xb0: {  	[sflag:s14] =	ssyncset.done $0x0  }
0xb1: {  	[sflag:s14] =	ssyncadd.s32 $0xFFFFD800  }
0xb2: {  	_ =	sfence.sel $0x180000  }
0xb3: {  	[bflag:$0x0] =	sbarrier.arrive $0xFFFF  }
0xb4: {  	p0 =	sne.s32 s1, $0x0;
	_ =	strace $0x9000004D  }
0xb5: {  	s0 =	sadd.s32 @!p0 $0x100000, s0;
	[bflag:$0x2] =	sbarrier.arrive $0xFFFF  }
0xb6: {  	[sflag:s0] =	ssyncadd.tile.s32 @!p0 $0x1;
	_ =	shalt  }
.Lfunc_end2:
_tile_overlayer_lowered:
.L_overlay_start_2:
0xb7: {  	(tag) =	ssettag $0x2  }
0xb8: {  	s0 =	rddreg [dreg:$0x0];
	s2 =	stileid.u32  }
0xb9: {  	s1 =	rddreg [dreg:$0x1];
	p0 =	sne.s32 s2, $0x0  }
0xba: {  	s3 =	rddreg [dreg:$0x2];
	[bflag:$0x3] =	sbarrier.arrive $0xFFFF;
	s2 =	simm.s32 @!p0 $0x1C03  }
0xbb: {  	[timem:s3], [sflag:s2] =	dma.local @!p0 [hbm:s0], s1  }
0xbc: {  	s0 =	simm.s32 @!p0 $0x3  }
0xbd: {  	_ =	swait.ge @!p0 [sflag:s0], s1  }
0xbe: {  	s1 =	ssub.s32 @!p0 $0x0, s1;
	[sflag:s0] =	ssyncset.done @!p0 $0x0  }
0xbf: {  	[sflag:s0] =	ssyncadd.s32 @!p0 s1  }
0xc0: {  	[bflag:$0x3] =	sbarrier.arrive $0xFFFF  }
0xc1: {  	_ =	shalt  }

// kernel: kernel.8.cloned.1.call-start
scs
__scs_entry_jumppad:
0x0: {  	(pc) =	sbr.rel $0x88, $3  }
0x1: {  	(tag) =	ssettag $0x0;
	lr =	simm.s32 $0x1  }
0x2: {  	[smem:$0x3F98] =	sst lr;
	_ =	strace $0xD0000000  }
0x3: {  	_ = 	snop  }
0x4: {  	_ = 	snop  }
0x5: {  	_ = 	snop  }
0x6: {  	_ = 	snop  }
0x7: {  	_ = 	snop  }
__scs_overlays_trampoline_lowered:
0x8: {  	[smem:$0x3FA7] =	sst s0  }
0x9: {  	[smem:$0x3FA8] =	sst s1  }
0xa: {  	[smem:$0x3FA9] =	sst s2  }
0xb: {  	[smem:$0x3FAA] =	sst s3  }
0xc: {  	[smem:$0x3FAB] =	sst s4  }
0xd: {  	[smem:$0x3FAC] =	sst s5  }
0xe: {  	[smem:$0x3FAD] =	sst s6  }
0xf: {  	[smem:$0x3FAE] =	sst s7  }
0x10: {  	[smem:$0x3FAF] =	sst s8  }
0x11: {  	[smem:$0x3FB0] =	sst s9;
	s0 =	simm.s32 @!p0 $0x0  }
0x12: {  	s1 =	sld [smem:$0x3F96];
	s0 =	simm.s32 @p0 $0x1  }
0x13: {  	[smem:$0x3FB1] =	sst s0;
	s0 =	simm.s32 @!p1 $0x0  }
0x14: {  	s2 =	sld [smem:$0x3F95];
	s0 =	simm.s32 @p1 $0x1  }
0x15: {  	[smem:$0x3FB2] =	sst s0;
	s0 =	simm.s32 @!p2 $0x0  }
0x16: {  	s3 =	sld [smem:$0x3FDB];
	s0 =	simm.s32 @p2 $0x1  }
0x17: {  	s4 =	simm.s32 $0x1BF5;
	[smem:$0x3FB4] =	sst s0  }
0x18: {  	s0 =	sld [smem:$0x3F97];
	_ =	swait.ge [sflag:s4], $0x0  }
0x19: {  	s7 =	sld [smem:$0x3F98]  }
0x1a: {  	s8 =	sadd.s32 $0xFFFFE003, lr  }
0x1b: {  	s9 =	sadd.s32 $0xFFFFFEF7, lr;
	s5 =	simm.s32 $0xFFFFFFFF;
	p2 =	slt.u32 s8, $0xFFFFF086  }
0x1c: {  	p1 =	slt.u32 s9, $0xF7A;
	s5 =	simm.s32 @!p2 $0x0  }
0x1d: {  	s5 =	simm.s32 @p1 $0x1;
	p0 =	seq.s32 s7, s2  }
0x1e: {  	s7 =	smul.u32 @!p0 $0xF7A, s2;
	p2 =	seq.s32 @!p0 s5, $0x0  }
0x1f: {  	s9 =	smul.u32 $0xF7A, s1;
	s8 =	simm.s32 @!p0 $0x1BF5;
	p2 =	por !p2, p0  }
0x20: {  	[sflag:s8] =	ssyncset.s32 @!p0 $0xFFFFF086;
	s6 =	sadd.s32 @!p0 s3, s7;
	s7 =	simm.s32 @!p0 $0x108  }
0x21: {  	s3 =	sadd.s32 s3, s9;
	s6 =	sadd.s32 @!p0 $0x88, s6;
	s7 =	simm.s32 @p2 $0x1082  }
0x22: {  	[simem:s7], [sflag:s8] =	dma.local @!p0 [hbm:s6], $0xF7A  }
0x23: {  	s9 =	sor.u32 $0xD0000000, s2;
	s6 =	simm.s32 $0x108;
	_ =	swait.ge @!p0 [sflag:s8], $0x0  }
0x24: {  	s3 =	sadd.s32 $0x88, s3;
	s6 =	simm.s32 @!p1 $0x1082;
	[sflag:s4] =	ssyncset.s32 $0xFFFFF086  }
0x25: {  	[simem:s6], [sflag:s4] =	dma.local [hbm:s3], $0xF7A  }
0x26: {  	[smem:$0x3F98] =	sst s1;
	(tag) =	ssettag s2;
	_ =	strace s9  }
0x27: {  	s1 =	sld [smem:$0x3FA8]  }
0x28: {  	s2 =	sld [smem:$0x3FA9]  }
0x29: {  	s4 =	sld [smem:$0x3FAB]  }
0x2a: {  	p0 =	seq.s32 s5, $0x0;
	s5 =	sld [smem:$0x3FAC]  }
0x2b: {  	s6 =	sld [smem:$0x3FAD]  }
0x2c: {  	s7 =	sld [smem:$0x3FAE]  }
0x2d: {  	s3 =	simm.s32 $0x108;
	s8 =	sld [smem:$0x3FAF]  }
0x2e: {  	s3 =	simm.s32 @!p0 $0x1082;
	s9 =	sld [smem:$0x3FB0]  }
0x2f: {  	lr =	sadd.s32 s0, s3;
	s0 =	sld [smem:$0x3FA7]  }
0x30: {  	s3 =	sld [smem:$0x3FAA]  }
0x31: {  	[smem:$0x3FB3] =	sst s10  }
0x32: {  	s10 =	sld [smem:$0x3FB1];
	_ =	sdelay $0x3  }
0x33: {  	p0 =	seq.s32 s10, $0x1;
	s10 =	sld [smem:$0x3FB3];
	_ =	sdelay $0x3  }
0x34: {  	[smem:$0x3FB3] =	sst s10  }
0x35: {  	s10 =	sld [smem:$0x3FB2];
	_ =	sdelay $0x3  }
0x36: {  	p1 =	seq.s32 s10, $0x1;
	s10 =	sld [smem:$0x3FB3];
	_ =	sdelay $0x3  }
0x37: {  	[smem:$0x3FB3] =	sst s10  }
0x38: {  	s10 =	sld [smem:$0x3FB4]  }
0x39: {  	_ = 	snop;
	(pc) =	sbr.ind lr, $3  }
0x3a: {  	_ = 	snop  }
0x3b: {  	_ = 	snop  }
0x3c: {  	p2 =	seq.s32 s10, $0x1;
	s10 =	sld [smem:$0x3FB3]  }
0x3d: {  	_ =	shalt  }
0x3e: {  	_ =	shalt  }
0x3f: {  	_ =	shalt  }
0x40: {  	_ =	shalt  }
0x41: {  	_ =	shalt  }
0x42: {  	_ =	shalt  }
0x43: {  	_ =	shalt  }
0x44: {  	_ =	shalt  }
0x45: {  	_ =	shalt  }
0x46: {  	_ =	shalt  }
0x47: {  	_ =	shalt  }
0x48: {  	_ =	shalt  }
0x49: {  	_ =	shalt  }
0x4a: {  	_ =	shalt  }
0x4b: {  	_ =	shalt  }
0x4c: {  	_ =	shalt  }
0x4d: {  	_ =	shalt  }
0x4e: {  	_ =	shalt  }
0x4f: {  	_ =	shalt  }
0x50: {  	_ =	shalt  }
0x51: {  	_ =	shalt  }
0x52: {  	_ =	shalt  }
0x53: {  	_ =	shalt  }
0x54: {  	_ =	shalt  }
0x55: {  	_ =	shalt  }
0x56: {  	_ =	shalt  }
0x57: {  	_ =	shalt  }
0x58: {  	_ =	shalt  }
0x59: {  	_ =	shalt  }
0x5a: {  	_ =	shalt  }
0x5b: {  	_ =	shalt  }
0x5c: {  	_ =	shalt  }
0x5d: {  	_ =	shalt  }
0x5e: {  	_ =	shalt  }
0x5f: {  	_ =	shalt  }
0x60: {  	_ =	shalt  }
0x61: {  	_ =	shalt  }
0x62: {  	_ =	shalt  }
0x63: {  	_ =	shalt  }
0x64: {  	_ =	shalt  }
0x65: {  	_ =	shalt  }
0x66: {  	_ =	shalt  }
0x67: {  	_ =	shalt  }
0x68: {  	_ =	shalt  }
0x69: {  	_ =	shalt  }
0x6a: {  	_ =	shalt  }
0x6b: {  	_ =	shalt  }
0x6c: {  	_ =	shalt  }
0x6d: {  	_ =	shalt  }
0x6e: {  	_ =	shalt  }
0x6f: {  	_ =	shalt  }
0x70: {  	_ =	shalt  }
0x71: {  	_ =	shalt  }
0x72: {  	_ =	shalt  }
0x73: {  	_ =	shalt  }
0x74: {  	_ =	shalt  }
0x75: {  	_ =	shalt  }
0x76: {  	_ =	shalt  }
0x77: {  	_ =	shalt  }
0x78: {  	_ =	shalt  }
0x79: {  	_ =	shalt  }
0x7a: {  	_ =	shalt  }
0x7b: {  	_ =	shalt  }
0x7c: {  	_ =	shalt  }
0x7d: {  	_ =	shalt  }
0x7e: {  	_ =	shalt  }
0x7f: {  	_ =	shalt  }
0x80: {  	_ =	shalt  }
0x81: {  	_ =	shalt  }
0x82: {  	_ =	shalt  }
0x83: {  	_ =	shalt  }
0x84: {  	_ =	shalt  }
0x85: {  	_ =	shalt  }
0x86: {  	_ =	shalt  }
0x87: {  	_ =	shalt  }
.Lfunc_end0:
.L_simem_size_0:
called_computation_lowered:
.L_overlay_start_0:
0x88: {  	s2 =	sld [smem:$0x3FD9]  }
0x89: {  	s3 =	sld [smem:$0x3FFE];
	_ =	sdelay $0x1  }
0x8a: {  	s1 =	srdreg.scid  }
0x8b: {  	s0 =	sand.u32 $0x1, s1  }
0x8c: {  	s16 =	sshll.u32 s0, $0xA;
	s2 =	sadd.s32 s3, s2  }
0x8d: {  	s2 =	sadd.s32 s2, s16  }
0x8e: {  	[smem:$0x3FBF] =	sst s2  }
0x8f: {  	_ = 	snop  }
0x90: {  	(tm) =	ssettm $0x1  }
0x91: {  	s17 =	sld [smem:$0x3FFB];
	_ =	sdelay $0x3  }
0x92: {  	_ =	strace s17  }
0x93: {  	s2 =	sld [smem:$0x3FFC];
	_ =	sdelay $0x3  }
0x94: {  	_ =	strace s2  }
0x95: {  	s2 =	sld [smem:$0x3FFD];
	_ =	sdelay $0x3  }
0x96: {  	_ =	strace s2  }
0x97: {  	_ =	strace $0x8FFFFFFF  }
0x98: {  	s18 =	sld [smem:$0x3FDB];
	_ =	sdelay $0x1  }
0x99: {  	s19 =	simm.s32 $_scs_section_size  }
0x9a: {  	s4 =	simm.s32 $_size__tile_overlayer_lowered;
	s5 =	simm.s32 $_tile_overlayer_lowered  }
0x9b: {  	s22 =	simm.s32 $0x1BFF;
	s21 =	sshll.u32 s5, $0x1;
	s2 =	sadd.s32 s19, s18  }
0x9c: {  	s6 =	simm.s32 $0x0;
	s20 =	sshll.u32 s4, $0x1;
	s4 =	sadd.s32 s21, s2  }
0x9d: {  	[timem:s6], [sflag:s22] =	dma.local [hbm:s4], s20  }
0x9e: {  	_ =	swait.ge [sflag:s22], s20  }
0x9f: {  	s3 =	ssub.s32 $0x0, s20;
	[sflag:s22] =	ssyncset.done $0x0  }
0xa0: {  	[sflag:s22] =	ssyncadd.s32 s3;
	_ =	sdelay $0x1  }
0xa1: {  	s23 =	simm.s32 $0x1B8B  }
0xa2: {  	_ =	swait.ge [sflag:s23], $0x1  }
0xa3: {  	[sflag:s23] =	ssyncset.done $0x0  }
0xa4: {  	s25 =	simm.s32 $0x1B8E;
	s24 =	sld [smem:$0x3FFE];
	[sflag:s23] =	ssyncadd.s32 $0xFFFFFFFF  }
0xa5: {  	s26 =	simm.s32 $execute0_lowered;
	[smem:$0x3FD2] =	sst s25  }
0xa6: {  	s4 =	sshll.u32 s26, $0x1;
	_ =	strace $0x80000046;
	[dreg:$0x1] =	wrdreg $0xFFFFFFFF  }
0xa7: {  	s28 =	simm.s32 $_size_execute0_lowered;
	s2 =	sadd.s32 s2, s4;
	[dreg:$0x0] =	wrdreg $0x0  }
0xa8: {  	s4 =	sshll.u32 s28, $0x1;
	[dreg:$0x2] =	wrdreg s2  }
0xa9: {  	[dreg:$0x3] =	wrdreg s4  }
0xaa: {  	[dreg:$0x4] =	wrdreg $0xC0  }
0xab: {  	_ =	task [dreg:s6], $0x5FFFF  }
0xac: {  	[dreg:$0x1] =	wrdreg $0xFFFFFFFF  }
0xad: {  	[dreg:$0x0] =	wrdreg $0x60  }
0xae: {  	[dreg:$0x2] =	wrdreg s24  }
0xaf: {  	[dreg:$0x3] =	wrdreg $0x68000  }
0xb0: {  	[dreg:$0x4] =	wrdreg $0x9  }
0xb1: {  	_ =	task.clear_ibuf [dreg:s6], $0x5FFFF;
	_ =	strace $0x90000046  }
0xb2: {  	s29 =	simm.s32 $0x9;
	_ =	strace $0x80000048  }
0xb3: {  	_ =	swait.ge [sflag:s29], $0x1  }
0xb4: {  	[sflag:s29] =	ssyncadd.s32 $0xFFFFFFFF  }
0xb5: {  	_ =	strace $0x90000048  }
0xb6: {  	_ =	sfence  }
0xb7: {  	s30 =	sld [smem:$0x0];
	_ =	sdelay $0x2  }
0xb8: {  	s31 =	sshll.u32 s1, $0xD;
	s1 =	sshrl.u32 s1, $0x2  }
0xb9: {  	s3 =	sand.u32 $0x4000, s31;
	s1 =	sadd.s32 s1, s30  }
0xba: {  	s0 =	sor.u32 s3, s0;
	s1 =	sshll.u32 s1, $0x11  }
0xbb: {  	s0 =	sor.u32 s1, s0  }
0xbc: {  	s0 =	sadd.s32 $0x8F2B, s0  }
0xbd: {  	[sflag:s0] =	ssyncadd.remote.s32 $0x1  }
0xbe: {  	_ =	sfence.sel $0xFFFF  }
0xbf: {  	[dreg:$0x0] =	wrdreg $0xFFFFFFFF;
	(pc) =	sbr.abs _section_cstart, $3  }
0xc0: {  	[dreg:$0x1] =	wrdreg $0xFFFFFFFF  }
0xc1: {  	_ =	task.clear_ibuf [dreg:s6], $0x2FFFF;
	_ =	strace $0x9FFFFFFF  }
0xc2: {  	(tm) =	ssettm $0x7FFFFFFF  }
0xc3: {  	_ =	shalt  }
tec
execute0_lowered:
.L_overlay_start_1:
0x0: {  	(tag) =	ssettag $0x1  }
0x1: {  	s0 =	srdreg.scid;
	s6 =	rddreg [dreg:$0x0]  }
0x2: {  	s2 =	rddreg [dreg:$0x1];
	s5 =	sand.u32 $0x1, s0;
	s0 =	stileid.u32  }
0x3: {  	s3 =	simm.s32 $0x0;
	s13 =	simm.s32 $0x80;
	s7 =	smul.u32 $0x14000, s0  }
0x4: {  	s14 =	simm.s32 $0x0;
	[smem:$0x7FF] =	sst s3;
	s8 =	smul.u32 $0x140000, s5  }
0x5: {  	s1 =	sshll.u32 s5, $0x4;
	s5 =	ssub.s32 $0x2, s5;
	s29 =	smul.u32 $0x50000, s0  }
0x6: {  	s31 =	sshll.u32 s0, $0x6;
	s4 =	sor.u32 s0, s1;
	s1 =	rddreg [dreg:$0x2]  }
0x7: {  	_ =	strace $0x80000047;
	s11 =	sshrl.u32 s5, $0x1;
	s4 =	smul.u32 $0x500, s4  }
0x8: {  	s10 =	sshrl.u32 s7, $0x3;
	s7 =	sadd.s32 s7, s8;
	s11 =	ssub.s32 s5, s11  }
0x9: {  	s30 =	sshrl.u32 s29, $0x2;
	s10 =	sadd.s32 s10, s6;
	s7 =	sshrl.u32 s7, $0x3  }
0xa: {  	s12 =	sadd.s32 s30, s2;
	s8 =	smax.u32 s11, $0x1;
	s11 =	sor.u32 $0x1C01, s31  }
0xb: {  	s9 =	sadd.s32 s4, s6;
	s4 =	sadd.s32 $0x34C00, s6;
	s7 =	sadd.s32 s7, s6  }
0xc: {  	s6 =	sadd.s32 $0xCC00, s10;
	s10 =	simm.s32 $0x1;
	s12 =	sshrl.u32 s12, $0x3  }
0xd: {  	s5 =	sadd.s32 $0x2C00, s9;
	s7 =	sadd.s32 $0x35400, s7;
	s9 =	simm.s32 $0x2800  }
.LBB2_1:
0xe: {  	[tilespmem:s9], [sflag:$0x1] =	stream.linear.gather [hbm4b:s4+s3], $0x4000, $0x38;
	[tilespmem:$0x1A800] =	vst v63  }
0xf: {  	_ =	swait.ge [sflag:s10], $0x4000  }
0x10: {  	[sflag:s10] =	ssyncset.done $0x0  }
0x11: {  	[sflag:s10] =	ssyncadd.s32 $0xFFFFC000  }
0x12: {  	[tilespmem:s3], [sflag:$0x1] =	stream.linear.gather [hbm4b:s5+s3], $0x2800, $0x38;
	[tilespmem:$0x1A800] =	vst v63  }
0x13: {  	_ =	swait.ge [sflag:s10], $0x2800  }
0x14: {  	[sflag:s10] =	ssyncset.done $0x0  }
0x15: {  	[sflag:s10] =	ssyncadd.s32 $0xFFFFD800  }
0x16: {  	[spmem:s12], [sflag:s11] =	dma.local [hbm:s6], $0x2800  }
0x17: {  	_ =	swait.ge [sflag:s10], $0x2800  }
0x18: {  	[sflag:s10] =	ssyncset.done $0x0  }
0x19: {  	[sflag:s10] =	ssyncadd.s32 $0xFFFFD800  }
0x1a: {  	s15 =	simm.s32 $0x0;
	[bflag:$0x0] =	sbarrier.arrive $0xFFFF  }
0x1b: {  	[spmem:s2] =	stream.indirect.scatter.add.f32 [tilespmem:s9], [sflag:$0x1], $0x80, s15, s13, $0xb8;
	[tilespmem:$0x1A800] =	vst v63  }
0x1c: {  	_ =	swait.ge [sflag:s10], $0x4000  }
0x1d: {  	s15 =	simm.s32 $0x200;
	[sflag:s10] =	ssyncset.done $0x0  }
.LBB2_2:
0x1e: {  	s16 =	sshra.s32 s15, $0x2;
	[sflag:s10] =	ssyncadd.s32 $0xFFFFC000;
	p0 =	sne.s32 s15, $0x9E00  }
0x1f: {  	[spmem:s2] =	stream.indirect.scatter.add.f32 [tilespmem:s9], [sflag:$0x1], $0x80, s16, s13, $0xb8;
	[tilespmem:$0x1A800] =	vst v63  }
.Ltmp0:
0x20: {  	_ = 	snop;
	(pc) =	sbr.rel @p0 .LBB2_2-.Ltmp0, $4  }
0x21: {  	_ = 	snop  }
0x22: {  	s15 =	sadd.s32 $0x200, s15  }
0x23: {  	_ =	swait.ge [sflag:s10], $0x4000  }
0x24: {  	[sflag:s10] =	ssyncset.done $0x0  }
0x25: {  	s14 =	sadd.s32 $0x1, s14  }
0x26: {  	[sflag:s10] =	ssyncadd.s32 $0xFFFFC000;
	p0 =	sne.s32 s14, s8  }
.Ltmp1:
0x27: {  	[bflag:$0x0] =	sbarrier.arrive $0xFFFF;
	(pc) =	sbr.rel @p0 .LBB2_1-.Ltmp1, $4  }
0x28: {  	[hbm:s7], [sflag:s11] =	dma.local [spmem:s12], $0x2800  }
0x29: {  	_ =	swait.ge [sflag:s10], $0x2800  }
0x2a: {  	[sflag:s10] =	ssyncset.done $0x0  }
0x2b: {  	[sflag:s10] =	ssyncadd.s32 $0xFFFFD800  }
0x2c: {  	_ =	sfence.sel $0x180000  }
0x2d: {  	[bflag:$0x0] =	sbarrier.arrive $0xFFFF  }
0x2e: {  	p0 =	sne.s32 s0, $0x0;
	_ =	strace $0x90000047  }
0x2f: {  	s0 =	sadd.s32 @!p0 $0x100000, s1;
	[bflag:$0x2] =	sbarrier.arrive $0xFFFF  }
0x30: {  	[sflag:s0] =	ssyncadd.tile.s32 @!p0 $0x1;
	_ =	shalt  }
.Lfunc_end2:
_tile_overlayer_lowered:
.L_overlay_start_2:
0x31: {  	(tag) =	ssettag $0x2  }
0x32: {  	s0 =	rddreg [dreg:$0x0];
	s2 =	stileid.u32  }
0x33: {  	s1 =	rddreg [dreg:$0x1];
	p0 =	sne.s32 s2, $0x0  }
0x34: {  	s3 =	rddreg [dreg:$0x2];
	[bflag:$0x3] =	sbarrier.arrive $0xFFFF;
	s2 =	simm.s32 @!p0 $0x1C01  }
0x35: {  	[timem:s3], [sflag:s2] =	dma.local @!p0 [hbm:s0], s1  }
0x36: {  	s0 =	simm.s32 @!p0 $0x1  }
0x37: {  	_ =	swait.ge @!p0 [sflag:s0], s1  }
0x38: {  	s1 =	ssub.s32 @!p0 $0x0, s1;
	[sflag:s0] =	ssyncset.done @!p0 $0x0  }
0x39: {  	[sflag:s0] =	ssyncadd.s32 @!p0 s1  }
0x3a: {  	[bflag:$0x3] =	sbarrier.arrive $0xFFFF  }
0x3b: {  	_ =	shalt  }

</sc_bundles>
